<compile_context>
chip_gen: v7x
topology: tpu7x:2x2x1
jax: 0.10.2.dev20260603
libtpu: 0.0.44.dev20260713+nightly
codegen_flags: <defaults>
</compile_context>

<pallas_src>
import jax
import jax.numpy as jnp
from jax import lax
from jax.experimental import pallas as pl
from jax.experimental.pallas import tpu as pltpu
from jax.experimental.pallas import tpu_sc as plsc

N = 10000
E = 320000
C_IN = 128
HID = 256
NC, NS = 2, 16
NPAD = 10240
ROWS_PER_TILE = NPAD // NS
CHUNK = 100
NCHUNK_A = E // (NC * NS) // CHUNK
CPS_A = 20
CHUNK_B = 100
NCHUNK_B2 = E // NS // CHUNK_B
CPS_B = 40
R = 400
G = N // R

_mesh = plsc.VectorSubcoreMesh(core_axis_name="c", subcore_axis_name="s")


def _pipe_segs(gather_src, srcs_slice, dsts_slice, nseg, cps, table,
               src_v, dst_v, rows0, rows1, g0, g1):

    def seg(g, carry):
        pltpu.sync_copy(srcs_slice(g), src_v)
        pltpu.sync_copy(dsts_slice(g), dst_v)
        pltpu.async_copy(gather_src.at[src_v.at[0]], rows0, g0)

        def pair(p, c):
            j = 2 * p
            pltpu.async_copy(gather_src.at[src_v.at[j + 1]], rows1, g1)
            pltpu.make_async_copy(gather_src.at[src_v.at[j]], rows0, g0).wait()
            pltpu.sync_copy(rows0, table.at[dst_v.at[j]], add=True)

            @pl.when(p < cps // 2 - 1)
            def _():
                pltpu.async_copy(gather_src.at[src_v.at[j + 2]], rows0, g0)

            pltpu.make_async_copy(gather_src.at[src_v.at[j + 1]], rows1, g1).wait()
            pltpu.sync_copy(rows1, table.at[dst_v.at[j + 1]], add=True)
            return c

        return lax.fori_loop(0, cps // 2, pair, carry)

    lax.fori_loop(0, nseg, seg, 0)


CW = 16


def _agg1_body(x, srcs, dsts, zf, zc, cinit, outf, outc, src_v, dst_v,
               rows0, rows1, crow, tablef, tablec, g0, g1):
    cid = lax.axis_index("c")
    sid = lax.axis_index("s")
    sl = pl.ds(sid * ROWS_PER_TILE, ROWS_PER_TILE)
    pltpu.sync_copy(zf, tablef.at[sl])
    pltpu.sync_copy(zc, tablec.at[sl])
    pltpu.sync_copy(cinit, crow)
    plsc.subcore_barrier()

    def seg(g, carry):
        pltpu.sync_copy(srcs.at[cid, sid, pl.ds(g * CPS_A, CPS_A)], src_v)
        pltpu.sync_copy(dsts.at[cid, sid, pl.ds(g * CPS_A, CPS_A)], dst_v)
        pltpu.async_copy(x.at[src_v.at[0]], rows0, g0)

        def pair(p, c):
            j = 2 * p
            pltpu.async_copy(x.at[src_v.at[j + 1]], rows1, g1)
            pltpu.make_async_copy(x.at[src_v.at[j]], rows0, g0).wait()
            pltpu.sync_copy(rows0, tablef.at[dst_v.at[j]], add=True)
            pltpu.sync_copy(crow, tablec.at[dst_v.at[j]], add=True)

            @pl.when(p < CPS_A // 2 - 1)
            def _():
                pltpu.async_copy(x.at[src_v.at[j + 2]], rows0, g0)

            pltpu.make_async_copy(x.at[src_v.at[j + 1]], rows1, g1).wait()
            pltpu.sync_copy(rows1, tablef.at[dst_v.at[j + 1]], add=True)
            pltpu.sync_copy(crow, tablec.at[dst_v.at[j + 1]], add=True)
            return c

        return lax.fori_loop(0, CPS_A // 2, pair, carry)

    lax.fori_loop(0, NCHUNK_A // CPS_A, seg, 0)
    plsc.subcore_barrier()
    pltpu.sync_copy(tablef.at[sl], outf.at[cid, sl])
    pltpu.sync_copy(tablec.at[sl], outc.at[cid, sl])


_agg1 = pl.kernel(
    _agg1_body,
    out_type=[
        jax.ShapeDtypeStruct((NC, NPAD, C_IN), jnp.float32),
        jax.ShapeDtypeStruct((NC, NPAD, CW), jnp.float32),
    ],
    mesh=_mesh,
    compiler_params=pltpu.CompilerParams(use_tc_tiling_on_sc=False),
    scratch_types=[
        pltpu.VMEM((CPS_A, CHUNK), jnp.int32),
        pltpu.VMEM((CPS_A, CHUNK), jnp.int32),
        pltpu.VMEM((CHUNK, C_IN), jnp.float32),
        pltpu.VMEM((CHUNK, C_IN), jnp.float32),
        pltpu.VMEM((CHUNK, CW), jnp.float32),
        pltpu.VMEM_SHARED((NPAD, C_IN), jnp.float32),
        pltpu.VMEM_SHARED((NPAD, CW), jnp.float32),
        pltpu.SemaphoreType.DMA,
        pltpu.SemaphoreType.DMA,
    ],
)


def _agg2_body(h1s, srcs, dsts, zeros, out, src_v, dst_v, rows0, rows1,
               table, g0, g1):
    cid = lax.axis_index("c")
    sid = lax.axis_index("s")
    pltpu.sync_copy(zeros, table.at[pl.ds(sid * ROWS_PER_TILE, ROWS_PER_TILE)])
    plsc.subcore_barrier()

    def run(half):
        _pipe_segs(
            half,
            lambda g: srcs.at[sid, pl.ds(g * CPS_B, CPS_B)],
            lambda g: dsts.at[sid, pl.ds(g * CPS_B, CPS_B)],
            NCHUNK_B2 // CPS_B, CPS_B, table, src_v, dst_v, rows0, rows1,
            g0, g1)

    @pl.when(cid == 0)
    def _():
        run(h1s.at[0])

    @pl.when(cid == 1)
    def _():
        run(h1s.at[1])

    plsc.subcore_barrier()
    sl = pl.ds(sid * ROWS_PER_TILE, ROWS_PER_TILE)
    pltpu.sync_copy(table.at[sl], out.at[cid, sl])


_agg2 = pl.kernel(
    _agg2_body,
    out_type=jax.ShapeDtypeStruct((NC, NPAD, C_IN), jnp.float32),
    mesh=_mesh,
    scratch_types=[
        pltpu.VMEM((CPS_B, CHUNK_B), jnp.int32),
        pltpu.VMEM((CPS_B, CHUNK_B), jnp.int32),
        pltpu.VMEM((CHUNK_B, C_IN), jnp.float32),
        pltpu.VMEM((CHUNK_B, C_IN), jnp.float32),
        pltpu.VMEM_SHARED((NPAD, C_IN), jnp.float32),
        pltpu.SemaphoreType.DMA,
        pltpu.SemaphoreType.DMA,
    ],
)


def _elu(h):
    return jnp.where(h > 0, h, jnp.exp(jnp.minimum(h, 0.0)) - 1.0)


def _tc1_body(agg_ref, cnt_ref, x_ref, wl_ref, wr_ref, b_ref, h_ref, inv_ref):
    agg = agg_ref[...]
    cnt = cnt_ref[0, :, 0:1] + cnt_ref[1, :, 0:1]
    inv = 1.0 / jnp.maximum(cnt, 1.0)
    mean = (agg[0] + agg[1]) * inv
    h = (jnp.dot(mean, wl_ref[...], preferred_element_type=jnp.float32)
         + jnp.dot(x_ref[...], wr_ref[...], preferred_element_type=jnp.float32)
         + b_ref[...])
    h = _elu(h)
    h_ref[0] = h[:, :C_IN]
    h_ref[1] = h[:, C_IN:]
    inv_ref[...] = inv


def _tc1(aggf, aggc, x, wl, wr, b):
    return pl.pallas_call(
        _tc1_body,
        grid=(G,),
        in_specs=[
            pl.BlockSpec((NC, R, C_IN), lambda i: (0, i, 0)),
            pl.BlockSpec((NC, R, CW), lambda i: (0, i, 0)),
            pl.BlockSpec((R, C_IN), lambda i: (i, 0)),
            pl.BlockSpec((C_IN, HID), lambda i: (0, 0)),
            pl.BlockSpec((C_IN, HID), lambda i: (0, 0)),
            pl.BlockSpec((1, HID), lambda i: (0, 0)),
        ],
        out_specs=[
            pl.BlockSpec((NC, R, C_IN), lambda i: (0, i, 0)),
            pl.BlockSpec((R, 1), lambda i: (i, 0)),
        ],
        out_shape=[
            jax.ShapeDtypeStruct((NC, N, C_IN), jnp.float32),
            jax.ShapeDtypeStruct((N, 1), jnp.float32),
        ],
    )(aggf, aggc, x, wl, wr, b)


def _tc2_body(agg_ref, h1_ref, inv_ref, w2l_ref, w2r_ref, b2_ref,
              wf1_ref, bf1_ref, wf2_ref, bf2_ref, out_ref):
    inv = inv_ref[...]
    agg = agg_ref[...]
    h1 = h1_ref[...]
    w2l = w2l_ref[...]
    w2r = w2r_ref[...]
    f32 = jnp.float32
    z = (jnp.dot(agg[0] * inv, w2l[:C_IN], preferred_element_type=f32)
         + jnp.dot(agg[1] * inv, w2l[C_IN:], preferred_element_type=f32)
         + jnp.dot(h1[0], w2r[:C_IN], preferred_element_type=f32)
         + jnp.dot(h1[1], w2r[C_IN:], preferred_element_type=f32)
         + b2_ref[...])
    z = _elu(z)
    u = jnp.maximum(jnp.dot(z, wf1_ref[...], preferred_element_type=f32)
                    + bf1_ref[...], 0.0)
    out_ref[...] = jnp.dot(u, wf2_ref[...], preferred_element_type=f32) + bf2_ref[...]


def _tc2(agg2, h1s, invc, w2l, w2r, b2, wf1, bf1, wf2, bf2):
    return pl.pallas_call(
        _tc2_body,
        grid=(G,),
        in_specs=[
            pl.BlockSpec((NC, R, C_IN), lambda i: (0, i, 0)),
            pl.BlockSpec((NC, R, C_IN), lambda i: (0, i, 0)),
            pl.BlockSpec((R, 1), lambda i: (i, 0)),
            pl.BlockSpec((HID, HID), lambda i: (0, 0)),
            pl.BlockSpec((HID, HID), lambda i: (0, 0)),
            pl.BlockSpec((1, HID), lambda i: (0, 0)),
            pl.BlockSpec((HID, HID // 2), lambda i: (0, 0)),
            pl.BlockSpec((1, HID // 2), lambda i: (0, 0)),
            pl.BlockSpec((HID // 2, 1), lambda i: (0, 0)),
            pl.BlockSpec((1, 1), lambda i: (0, 0)),
        ],
        out_specs=pl.BlockSpec((R, 1), lambda i: (i, 0)),
        out_shape=jax.ShapeDtypeStruct((N, 1), jnp.float32),
    )(agg2, h1s, invc, w2l, w2r, b2, wf1, bf1, wf2, bf2)


def kernel(x, edge_index, W1l, b1l, W1r, W2l, b2l, W2r, Wf1, bf1, Wf2, bf2):
    ei = edge_index.astype(jnp.int32)
    src, dst = ei[0], ei[1]
    src_a = src.reshape(NC, NS, NCHUNK_A, CHUNK)
    dst_a = dst.reshape(NC, NS, NCHUNK_A, CHUNK)
    zf = jnp.zeros((ROWS_PER_TILE, C_IN), jnp.float32)
    zc = jnp.zeros((ROWS_PER_TILE, CW), jnp.float32)
    cinit = jnp.zeros((CHUNK, CW), jnp.float32).at[:, 0].set(1.0)
    aggf, aggc = _agg1(x, src_a, dst_a, zf, zc, cinit)

    h1s, invc = _tc1(aggf, aggc, x, W1l.T, W1r.T, b1l[None, :])

    src_b = src.reshape(NS, NCHUNK_B2, CHUNK_B)
    dst_b = dst.reshape(NS, NCHUNK_B2, CHUNK_B)
    zeros_b = jnp.zeros((ROWS_PER_TILE, C_IN), jnp.float32)
    agg2 = _agg2(h1s, src_b, dst_b, zeros_b)

    out = _tc2(agg2, h1s, invc, W2l.T, W2r.T, b2l[None, :],
               Wf1.T, bf1[None, :], Wf2.T, bf2[None, :])
    return out[:, 0]

# --- scband reference (transcript-rebuilt; emitter-appended) ---
"""Pipeline reference for scband-hybrid-gnn-85607288143966 (READ-ONLY COPY).

The authoritative reference and input builder live on the scoring server;
editing this copy changes nothing except your own understanding.
"""

import jax, jax.numpy as jnp
import numpy as np

N_NODES = 10000
N_EDGES = 320000
IN_CH = 128
HID = 256
OUT_CH = 1


def setup_inputs(seed: int = 0) -> dict:
    key = jax.random.key(seed)
    ks = jax.random.split(key, 12)
    x = jax.random.normal(ks[0], (N_NODES, IN_CH), dtype=jnp.float32)
    edge_index = jax.random.randint(ks[1], (2, N_EDGES), 0, N_NODES, dtype=jnp.int64)
    def glorot(k, shape):
        fan_in, fan_out = shape[1], shape[0]
        lim = jnp.sqrt(6.0 / (fan_in + fan_out))
        return jax.random.uniform(k, shape, dtype=jnp.float32, minval=-lim, maxval=lim)
    # SAGEConv 1: lin_l (aggregated neighbors, with bias) and lin_r (root, no bias)
    W1l = glorot(ks[2], (HID, IN_CH)); b1l = jnp.zeros((HID,), dtype=jnp.float32)
    W1r = glorot(ks[3], (HID, IN_CH))
    # SAGEConv 2
    W2l = glorot(ks[4], (HID, HID)); b2l = jnp.zeros((HID,), dtype=jnp.float32)
    W2r = glorot(ks[5], (HID, HID))
    # fc head: Linear(HID, HID//2) -> ReLU -> Dropout(eval: identity) -> Linear(HID//2, OUT_CH)
    Wf1 = glorot(ks[6], (HID // 2, HID)); bf1 = jnp.zeros((HID // 2,), dtype=jnp.float32)
    Wf2 = glorot(ks[7], (OUT_CH, HID // 2)); bf2 = jnp.zeros((OUT_CH,), dtype=jnp.float32)
    return {"x": x, "edge_index": edge_index, "W1l": W1l, "b1l": b1l, "W1r": W1r,
            "W2l": W2l, "b2l": b2l, "W2r": W2r, "Wf1": Wf1, "bf1": bf1, "Wf2": Wf2, "bf2": bf2}


def _sage_conv(x, edge_index, Wl, bl, Wr):
    src = edge_index[0]
    dst = edge_index[1]
    n = x.shape[0]
    msgs = jnp.take(x, src, axis=0)
    agg = jax.ops.segment_sum(msgs, dst, num_segments=n)
    cnt = jax.ops.segment_sum(jnp.ones((edge_index.shape[1],), dtype=x.dtype), dst, num_segments=n)
    mean = agg / jnp.clip(cnt, 1.0)[:, None]
    return mean @ Wl.T + bl + x @ Wr.T


def reference(x, edge_index, W1l, b1l, W1r, W2l, b2l, W2r, Wf1, bf1, Wf2, bf2):
    h = _sage_conv(x, edge_index, W1l, b1l, W1r)
    h = jax.nn.elu(h)
    # dropout p=0.3 is identity in eval mode
    h = _sage_conv(h, edge_index, W2l, b2l, W2r)
    h = jax.nn.elu(h)
    h = h @ Wf1.T + bf1
    h = jax.nn.relu(h)
    # dropout p=0.3 is identity in eval mode
    h = h @ Wf2.T + bf2
    return jnp.squeeze(h)

if __name__ == "__main__":
    import jax
    _d = setup_inputs()
    print(jax.jit(kernel)(*tuple(_d.values())))

</pallas_src>

<mosaic_0001>
#map = affine_map<(d0, d1) -> (0, 0)>
#map1 = affine_map<(d0, d1) -> (0, 0, 0, 0)>
#map2 = affine_map<(d0, d1) -> (0, 0, 0)>
module attributes {stable_mosaic.version = 14 : i64} {
  func.func @_agg1_body(%arg0: i32, %arg1: i32, %arg2: memref<10000x128xf32, #tpu.memory_space<hbm>>, %arg3: memref<2x16x100x100xi32, #tpu.memory_space<hbm>>, %arg4: memref<2x16x100x100xi32, #tpu.memory_space<hbm>>, %arg5: memref<640x128xf32, #tpu.memory_space<hbm>>, %arg6: memref<640x16xf32, #tpu.memory_space<hbm>>, %arg7: memref<100x16xf32, #tpu.memory_space<hbm>>, %arg8: memref<2x10240x128xf32, #tpu.memory_space<hbm>>, %arg9: memref<2x10240x16xf32, #tpu.memory_space<hbm>>, %arg10: memref<20x100xi32, #tpu.memory_space<vmem>>, %arg11: memref<20x100xi32, #tpu.memory_space<vmem>>, %arg12: memref<100x128xf32, #tpu.memory_space<vmem>>, %arg13: memref<100x128xf32, #tpu.memory_space<vmem>>, %arg14: memref<100x16xf32, #tpu.memory_space<vmem>>, %arg15: memref<10240x128xf32, #tpu.memory_space<vmem_shared>>, %arg16: memref<10240x16xf32, #tpu.memory_space<vmem_shared>>, %arg17: memref<!tpu.dma_semaphore, #tpu.memory_space<semaphore_mem>>, %arg18: memref<!tpu.dma_semaphore, #tpu.memory_space<semaphore_mem>>) attributes {dimension_semantics = [#tpu.dimension_semantics<core_parallel>, #tpu.dimension_semantics<subcore_parallel>], iteration_bounds = array<i64: 2, 16>, scalar_prefetch = 0 : i64, scratch_operands = 9 : i64, tpu.core_type = #tpu.core_type<sc_vector_subcore>, window_params = [{transform_indices = #map}, {transform_indices = #map1}, {transform_indices = #map1}, {transform_indices = #map}, {transform_indices = #map}, {transform_indices = #map}, {transform_indices = #map2}, {transform_indices = #map2}]} {
    %mul3A = arith.constant 640 : i32
    %mul3A_0 = arith.muli %arg1, %mul3A : i32
    "tpu.region"() ({
      %run_scoped3A = tpu.sem_alloc : memref<!tpu.dma_semaphore, #tpu.memory_space<semaphore_mem>>
      %dma_start3A = arith.constant 0 : i32
      %dma_start3A_7 = tpu.memref_slice %arg15[%mul3A_0, %dma_start3A] : memref<10240x128xf32, #tpu.memory_space<vmem_shared>> -> memref<640x128xf32, #tpu.memory_space<vmem_shared>>
      tpu.enqueue_dma source(%arg5 : memref<640x128xf32, #tpu.memory_space<hbm>>) target(%dma_start3A_7 : memref<640x128xf32, #tpu.memory_space<vmem_shared>>) target_semaphore(%run_scoped3A : memref<!tpu.dma_semaphore, #tpu.memory_space<semaphore_mem>>)
      %dma_wait3A = arith.constant 0 : i32
      %dma_wait3A_8 = tpu.memref_slice %arg15[%mul3A_0, %dma_wait3A] : memref<10240x128xf32, #tpu.memory_space<vmem_shared>> -> memref<640x128xf32, #tpu.memory_space<vmem_shared>>
      tpu.wait_dma2 semaphore(%run_scoped3A : memref<!tpu.dma_semaphore, #tpu.memory_space<semaphore_mem>>) src(%arg5 : memref<640x128xf32, #tpu.memory_space<hbm>>) dst(%dma_wait3A_8 : memref<640x128xf32, #tpu.memory_space<vmem_shared>>)
      tpu.yield
    }) : () -> ()
    "tpu.region"() ({
      %run_scoped3A = tpu.sem_alloc : memref<!tpu.dma_semaphore, #tpu.memory_space<semaphore_mem>>
      %dma_start3A = arith.constant 0 : i32
      %dma_start3A_7 = tpu.memref_slice %arg16[%mul3A_0, %dma_start3A] : memref<10240x16xf32, #tpu.memory_space<vmem_shared>> -> memref<640x16xf32, #tpu.memory_space<vmem_shared>>
      tpu.enqueue_dma source(%arg6 : memref<640x16xf32, #tpu.memory_space<hbm>>) target(%dma_start3A_7 : memref<640x16xf32, #tpu.memory_space<vmem_shared>>) target_semaphore(%run_scoped3A : memref<!tpu.dma_semaphore, #tpu.memory_space<semaphore_mem>>)
      %dma_wait3A = arith.constant 0 : i32
      %dma_wait3A_8 = tpu.memref_slice %arg16[%mul3A_0, %dma_wait3A] : memref<10240x16xf32, #tpu.memory_space<vmem_shared>> -> memref<640x16xf32, #tpu.memory_space<vmem_shared>>
      tpu.wait_dma2 semaphore(%run_scoped3A : memref<!tpu.dma_semaphore, #tpu.memory_space<semaphore_mem>>) src(%arg6 : memref<640x16xf32, #tpu.memory_space<hbm>>) dst(%dma_wait3A_8 : memref<640x16xf32, #tpu.memory_space<vmem_shared>>)
      tpu.yield
    }) : () -> ()
    "tpu.region"() ({
      %run_scoped3A = tpu.sem_alloc : memref<!tpu.dma_semaphore, #tpu.memory_space<semaphore_mem>>
      tpu.enqueue_dma source(%arg7 : memref<100x16xf32, #tpu.memory_space<hbm>>) target(%arg14 : memref<100x16xf32, #tpu.memory_space<vmem>>) target_semaphore(%run_scoped3A : memref<!tpu.dma_semaphore, #tpu.memory_space<semaphore_mem>>)
      tpu.wait_dma2 semaphore(%run_scoped3A : memref<!tpu.dma_semaphore, #tpu.memory_space<semaphore_mem>>) src(%arg7 : memref<100x16xf32, #tpu.memory_space<hbm>>) dst(%arg14 : memref<100x16xf32, #tpu.memory_space<vmem>>)
      tpu.yield
    }) : () -> ()
    %barrier3A = arith.constant 0 : index
    tpu.barrier barrier_id(%barrier3A)
    %scan3A = arith.constant 0 : i32
    %scan3A_1 = arith.constant 0 : i32
    %scan3A_2 = arith.constant 5 : i32
    %scan3A_3 = arith.addi %scan3A_1, %scan3A_2 : i32
    %scan3A_4 = arith.constant 1 : i32
    scf.for %scan3A_7 = %scan3A_1 to %scan3A_3 step %scan3A_4  : i32 {
      %mul3A_8 = arith.constant 20 : i32
      %mul3A_9 = arith.muli %scan3A_7, %mul3A_8 : i32
      "tpu.region"() ({
        %run_scoped3A = tpu.sem_alloc : memref<!tpu.dma_semaphore, #tpu.memory_space<semaphore_mem>>
        %dma_start3A_23 = arith.constant 0 : i32
        %dma_start3A_24 = tpu.memref_slice %arg3[%arg0, %arg1, %mul3A_9, %dma_start3A_23] : memref<2x16x100x100xi32, #tpu.memory_space<hbm>> -> memref<1x1x20x100xi32, #tpu.memory_space<hbm>>
        %dma_start3A_25 = tpu.memref_squeeze %dma_start3A_24 : memref<1x1x20x100xi32, #tpu.memory_space<hbm>> -> memref<20x100xi32, #tpu.memory_space<hbm>>
        %dma_start3A_26 = arith.constant 0 : i32
        %dma_start3A_27 = tpu.memref_slice %arg3[%arg0, %arg1, %mul3A_9, %dma_start3A_26] : memref<2x16x100x100xi32, #tpu.memory_space<hbm>> -> memref<1x1x20x100xi32, #tpu.memory_space<hbm>>
        %dma_start3A_28 = tpu.memref_squeeze %dma_start3A_27 : memref<1x1x20x100xi32, #tpu.memory_space<hbm>> -> memref<20x100xi32, #tpu.memory_space<hbm>>
        tpu.enqueue_dma source(%dma_start3A_28 : memref<20x100xi32, #tpu.memory_space<hbm>>) target(%arg10 : memref<20x100xi32, #tpu.memory_space<vmem>>) target_semaphore(%run_scoped3A : memref<!tpu.dma_semaphore, #tpu.memory_space<semaphore_mem>>)
        %dma_wait3A = arith.constant 0 : i32
        %dma_wait3A_29 = tpu.memref_slice %arg3[%arg0, %arg1, %mul3A_9, %dma_wait3A] : memref<2x16x100x100xi32, #tpu.memory_space<hbm>> -> memref<1x1x20x100xi32, #tpu.memory_space<hbm>>
        %dma_wait3A_30 = tpu.memref_squeeze %dma_wait3A_29 : memref<1x1x20x100xi32, #tpu.memory_space<hbm>> -> memref<20x100xi32, #tpu.memory_space<hbm>>
        %dma_wait3A_31 = arith.constant 0 : i32
        %dma_wait3A_32 = tpu.memref_slice %arg3[%arg0, %arg1, %mul3A_9, %dma_wait3A_31] : memref<2x16x100x100xi32, #tpu.memory_space<hbm>> -> memref<1x1x20x100xi32, #tpu.memory_space<hbm>>
        %dma_wait3A_33 = tpu.memref_squeeze %dma_wait3A_32 : memref<1x1x20x100xi32, #tpu.memory_space<hbm>> -> memref<20x100xi32, #tpu.memory_space<hbm>>
        tpu.wait_dma2 semaphore(%run_scoped3A : memref<!tpu.dma_semaphore, #tpu.memory_space<semaphore_mem>>) src(%dma_wait3A_33 : memref<20x100xi32, #tpu.memory_space<hbm>>) dst(%arg10 : memref<20x100xi32, #tpu.memory_space<vmem>>)
        tpu.yield
      }) : () -> ()
      %mul3A_10 = arith.constant 20 : i32
      %mul3A_11 = arith.muli %scan3A_7, %mul3A_10 : i32
      "tpu.region"() ({
        %run_scoped3A = tpu.sem_alloc : memref<!tpu.dma_semaphore, #tpu.memory_space<semaphore_mem>>
        %dma_start3A_23 = arith.constant 0 : i32
        %dma_start3A_24 = tpu.memref_slice %arg4[%arg0, %arg1, %mul3A_11, %dma_start3A_23] : memref<2x16x100x100xi32, #tpu.memory_space<hbm>> -> memref<1x1x20x100xi32, #tpu.memory_space<hbm>>
        %dma_start3A_25 = tpu.memref_squeeze %dma_start3A_24 : memref<1x1x20x100xi32, #tpu.memory_space<hbm>> -> memref<20x100xi32, #tpu.memory_space<hbm>>
        %dma_start3A_26 = arith.constant 0 : i32
        %dma_start3A_27 = tpu.memref_slice %arg4[%arg0, %arg1, %mul3A_11, %dma_start3A_26] : memref<2x16x100x100xi32, #tpu.memory_space<hbm>> -> memref<1x1x20x100xi32, #tpu.memory_space<hbm>>
        %dma_start3A_28 = tpu.memref_squeeze %dma_start3A_27 : memref<1x1x20x100xi32, #tpu.memory_space<hbm>> -> memref<20x100xi32, #tpu.memory_space<hbm>>
        tpu.enqueue_dma source(%dma_start3A_28 : memref<20x100xi32, #tpu.memory_space<hbm>>) target(%arg11 : memref<20x100xi32, #tpu.memory_space<vmem>>) target_semaphore(%run_scoped3A : memref<!tpu.dma_semaphore, #tpu.memory_space<semaphore_mem>>)
        %dma_wait3A = arith.constant 0 : i32
        %dma_wait3A_29 = tpu.memref_slice %arg4[%arg0, %arg1, %mul3A_11, %dma_wait3A] : memref<2x16x100x100xi32, #tpu.memory_space<hbm>> -> memref<1x1x20x100xi32, #tpu.memory_space<hbm>>
        %dma_wait3A_30 = tpu.memref_squeeze %dma_wait3A_29 : memref<1x1x20x100xi32, #tpu.memory_space<hbm>> -> memref<20x100xi32, #tpu.memory_space<hbm>>
        %dma_wait3A_31 = arith.constant 0 : i32
        %dma_wait3A_32 = tpu.memref_slice %arg4[%arg0, %arg1, %mul3A_11, %dma_wait3A_31] : memref<2x16x100x100xi32, #tpu.memory_space<hbm>> -> memref<1x1x20x100xi32, #tpu.memory_space<hbm>>
        %dma_wait3A_33 = tpu.memref_squeeze %dma_wait3A_32 : memref<1x1x20x100xi32, #tpu.memory_space<hbm>> -> memref<20x100xi32, #tpu.memory_space<hbm>>
        tpu.wait_dma2 semaphore(%run_scoped3A : memref<!tpu.dma_semaphore, #tpu.memory_space<semaphore_mem>>) src(%dma_wait3A_33 : memref<20x100xi32, #tpu.memory_space<hbm>>) dst(%arg11 : memref<20x100xi32, #tpu.memory_space<vmem>>)
        tpu.yield
      }) : () -> ()
      %dma_start3A = arith.constant 0 : i32
      %dma_start3A_12 = arith.constant 0 : i32
      %dma_start3A_13 = tpu.memref_slice %arg10[%dma_start3A, %dma_start3A_12] : memref<20x100xi32, #tpu.memory_space<vmem>> -> memref<1x100xi32, #tpu.memory_space<vmem>>
      %dma_start3A_14 = tpu.memref_squeeze %dma_start3A_13 : memref<1x100xi32, #tpu.memory_space<vmem>> -> memref<100xi32, #tpu.memory_space<vmem>>
      %dma_start3A_15 = arith.constant 0 : i32
      %dma_start3A_16 = arith.constant 0 : i32
      %dma_start3A_17 = tpu.memref_slice %arg2[%dma_start3A_15, %dma_start3A_16] : memref<10000x128xf32, #tpu.memory_space<hbm>> -> memref<10000x128xf32, #tpu.memory_space<hbm>>
      tpu.enqueue_indirect_dma source(%dma_start3A_17 : memref<10000x128xf32, #tpu.memory_space<hbm>>) target(%arg12 : memref<100x128xf32, #tpu.memory_space<vmem>>) offsets(%dma_start3A_14 : memref<100xi32, #tpu.memory_space<vmem>>) semaphore(%arg17 : memref<!tpu.dma_semaphore, #tpu.memory_space<semaphore_mem>>)
      %scan3A_18 = arith.constant 0 : i32
      %scan3A_19 = arith.constant 10 : i32
      %scan3A_20 = arith.addi %scan3A_18, %scan3A_19 : i32
      %scan3A_21 = arith.constant 1 : i32
      scf.for %scan3A_23 = %scan3A_18 to %scan3A_20 step %scan3A_21  : i32 {
        %mul3A_24 = arith.constant 2 : i32
        %mul3A_25 = arith.muli %mul3A_24, %scan3A_23 : i32
        %add3A = arith.constant 1 : i32
        %add3A_26 = arith.addi %mul3A_25, %add3A : i32
        %dma_start3A_27 = arith.constant 0 : i32
        %dma_start3A_28 = tpu.memref_slice %arg10[%add3A_26, %dma_start3A_27] : memref<20x100xi32, #tpu.memory_space<vmem>> -> memref<1x100xi32, #tpu.memory_space<vmem>>
        %dma_start3A_29 = tpu.memref_squeeze %dma_start3A_28 : memref<1x100xi32, #tpu.memory_space<vmem>> -> memref<100xi32, #tpu.memory_space<vmem>>
        %dma_start3A_30 = arith.constant 0 : i32
        %dma_start3A_31 = arith.constant 0 : i32
        %dma_start3A_32 = tpu.memref_slice %arg2[%dma_start3A_30, %dma_start3A_31] : memref<10000x128xf32, #tpu.memory_space<hbm>> -> memref<10000x128xf32, #tpu.memory_space<hbm>>
        tpu.enqueue_indirect_dma source(%dma_start3A_32 : memref<10000x128xf32, #tpu.memory_space<hbm>>) target(%arg13 : memref<100x128xf32, #tpu.memory_space<vmem>>) offsets(%dma_start3A_29 : memref<100xi32, #tpu.memory_space<vmem>>) semaphore(%arg18 : memref<!tpu.dma_semaphore, #tpu.memory_space<semaphore_mem>>)
        %dma_wait3A = arith.constant 0 : i32
        %dma_wait3A_33 = tpu.memref_slice %arg10[%mul3A_25, %dma_wait3A] : memref<20x100xi32, #tpu.memory_space<vmem>> -> memref<1x100xi32, #tpu.memory_space<vmem>>
        %dma_wait3A_34 = tpu.memref_squeeze %dma_wait3A_33 : memref<1x100xi32, #tpu.memory_space<vmem>> -> memref<100xi32, #tpu.memory_space<vmem>>
        %dma_wait3A_35 = arith.constant 0 : i32
        %dma_wait3A_36 = arith.constant 0 : i32
        %dma_wait3A_37 = tpu.memref_slice %arg2[%dma_wait3A_35, %dma_wait3A_36] : memref<10000x128xf32, #tpu.memory_space<hbm>> -> memref<10000x128xf32, #tpu.memory_space<hbm>>
        tpu.wait_indirect_dma semaphore(%arg17 : memref<!tpu.dma_semaphore, #tpu.memory_space<semaphore_mem>>) src(%dma_wait3A_37 : memref<10000x128xf32, #tpu.memory_space<hbm>>) dst(%arg12 : memref<100x128xf32, #tpu.memory_space<vmem>>)
        "tpu.region"() ({
          %run_scoped3A = tpu.sem_alloc : memref<!tpu.dma_semaphore, #tpu.memory_space<semaphore_mem>>
          %dma_start3A_52 = arith.constant 0 : i32
          %dma_start3A_53 = tpu.memref_slice %arg11[%mul3A_25, %dma_start3A_52] : memref<20x100xi32, #tpu.memory_space<vmem>> -> memref<1x100xi32, #tpu.memory_space<vmem>>
          %dma_start3A_54 = tpu.memref_squeeze %dma_start3A_53 : memref<1x100xi32, #tpu.memory_space<vmem>> -> memref<100xi32, #tpu.memory_space<vmem>>
          %dma_start3A_55 = arith.constant 0 : i32
          %dma_start3A_56 = arith.constant 0 : i32
          %dma_start3A_57 = tpu.memref_slice %arg15[%dma_start3A_55, %dma_start3A_56] : memref<10240x128xf32, #tpu.memory_space<vmem_shared>> -> memref<10240x128xf32, #tpu.memory_space<vmem_shared>>
          tpu.enqueue_indirect_dma source(%arg12 : memref<100x128xf32, #tpu.memory_space<vmem>>) target(%dma_start3A_57 : memref<10240x128xf32, #tpu.memory_space<vmem_shared>>) offsets(%dma_start3A_54 : memref<100xi32, #tpu.memory_space<vmem>>) semaphore(%run_scoped3A : memref<!tpu.dma_semaphore, #tpu.memory_space<semaphore_mem>>) {add = true}
          %dma_wait3A_58 = arith.constant 0 : i32
          %dma_wait3A_59 = tpu.memref_slice %arg11[%mul3A_25, %dma_wait3A_58] : memref<20x100xi32, #tpu.memory_space<vmem>> -> memref<1x100xi32, #tpu.memory_space<vmem>>
          %dma_wait3A_60 = tpu.memref_squeeze %dma_wait3A_59 : memref<1x100xi32, #tpu.memory_space<vmem>> -> memref<100xi32, #tpu.memory_space<vmem>>
          %dma_wait3A_61 = arith.constant 0 : i32
          %dma_wait3A_62 = arith.constant 0 : i32
          %dma_wait3A_63 = tpu.memref_slice %arg15[%dma_wait3A_61, %dma_wait3A_62] : memref<10240x128xf32, #tpu.memory_space<vmem_shared>> -> memref<10240x128xf32, #tpu.memory_space<vmem_shared>>
          tpu.wait_indirect_dma semaphore(%run_scoped3A : memref<!tpu.dma_semaphore, #tpu.memory_space<semaphore_mem>>) src(%arg12 : memref<100x128xf32, #tpu.memory_space<vmem>>) dst(%dma_wait3A_63 : memref<10240x128xf32, #tpu.memory_space<vmem_shared>>)
          tpu.yield
        }) : () -> ()
        "tpu.region"() ({
          %run_scoped3A = tpu.sem_alloc : memref<!tpu.dma_semaphore, #tpu.memory_space<semaphore_mem>>
          %dma_start3A_52 = arith.constant 0 : i32
          %dma_start3A_53 = tpu.memref_slice %arg11[%mul3A_25, %dma_start3A_52] : memref<20x100xi32, #tpu.memory_space<vmem>> -> memref<1x100xi32, #tpu.memory_space<vmem>>
          %dma_start3A_54 = tpu.memref_squeeze %dma_start3A_53 : memref<1x100xi32, #tpu.memory_space<vmem>> -> memref<100xi32, #tpu.memory_space<vmem>>
          %dma_start3A_55 = arith.constant 0 : i32
          %dma_start3A_56 = arith.constant 0 : i32
          %dma_start3A_57 = tpu.memref_slice %arg16[%dma_start3A_55, %dma_start3A_56] : memref<10240x16xf32, #tpu.memory_space<vmem_shared>> -> memref<10240x16xf32, #tpu.memory_space<vmem_shared>>
          tpu.enqueue_indirect_dma source(%arg14 : memref<100x16xf32, #tpu.memory_space<vmem>>) target(%dma_start3A_57 : memref<10240x16xf32, #tpu.memory_space<vmem_shared>>) offsets(%dma_start3A_54 : memref<100xi32, #tpu.memory_space<vmem>>) semaphore(%run_scoped3A : memref<!tpu.dma_semaphore, #tpu.memory_space<semaphore_mem>>) {add = true}
          %dma_wait3A_58 = arith.constant 0 : i32
          %dma_wait3A_59 = tpu.memref_slice %arg11[%mul3A_25, %dma_wait3A_58] : memref<20x100xi32, #tpu.memory_space<vmem>> -> memref<1x100xi32, #tpu.memory_space<vmem>>
          %dma_wait3A_60 = tpu.memref_squeeze %dma_wait3A_59 : memref<1x100xi32, #tpu.memory_space<vmem>> -> memref<100xi32, #tpu.memory_space<vmem>>
          %dma_wait3A_61 = arith.constant 0 : i32
          %dma_wait3A_62 = arith.constant 0 : i32
          %dma_wait3A_63 = tpu.memref_slice %arg16[%dma_wait3A_61, %dma_wait3A_62] : memref<10240x16xf32, #tpu.memory_space<vmem_shared>> -> memref<10240x16xf32, #tpu.memory_space<vmem_shared>>
          tpu.wait_indirect_dma semaphore(%run_scoped3A : memref<!tpu.dma_semaphore, #tpu.memory_space<semaphore_mem>>) src(%arg14 : memref<100x16xf32, #tpu.memory_space<vmem>>) dst(%dma_wait3A_63 : memref<10240x16xf32, #tpu.memory_space<vmem_shared>>)
          tpu.yield
        }) : () -> ()
        %lt3A = arith.constant 9 : i32
        %lt3A_38 = arith.cmpi slt, %scan3A_23, %lt3A : i32
        %convert_element_type3A = arith.extui %lt3A_38 : i1 to i32
        %cond3A = arith.constant 0 : i32
        %cond3A_39 = arith.cmpi ne, %convert_element_type3A, %cond3A : i32
        scf.if %cond3A_39 {
          %add3A_52 = arith.constant 2 : i32
          %add3A_53 = arith.addi %mul3A_25, %add3A_52 : i32
          %dma_start3A_54 = arith.constant 0 : i32
          %dma_start3A_55 = tpu.memref_slice %arg10[%add3A_53, %dma_start3A_54] : memref<20x100xi32, #tpu.memory_space<vmem>> -> memref<1x100xi32, #tpu.memory_space<vmem>>
          %dma_start3A_56 = tpu.memref_squeeze %dma_start3A_55 : memref<1x100xi32, #tpu.memory_space<vmem>> -> memref<100xi32, #tpu.memory_space<vmem>>
          %dma_start3A_57 = arith.constant 0 : i32
          %dma_start3A_58 = arith.constant 0 : i32
          %dma_start3A_59 = tpu.memref_slice %arg2[%dma_start3A_57, %dma_start3A_58] : memref<10000x128xf32, #tpu.memory_space<hbm>> -> memref<10000x128xf32, #tpu.memory_space<hbm>>
          tpu.enqueue_indirect_dma source(%dma_start3A_59 : memref<10000x128xf32, #tpu.memory_space<hbm>>) target(%arg12 : memref<100x128xf32, #tpu.memory_space<vmem>>) offsets(%dma_start3A_56 : memref<100xi32, #tpu.memory_space<vmem>>) semaphore(%arg17 : memref<!tpu.dma_semaphore, #tpu.memory_space<semaphore_mem>>)
        } else {
        }
        %add3A_40 = arith.constant 1 : i32
        %add3A_41 = arith.addi %mul3A_25, %add3A_40 : i32
        %dma_wait3A_42 = arith.constant 0 : i32
        %dma_wait3A_43 = tpu.memref_slice %arg10[%add3A_41, %dma_wait3A_42] : memref<20x100xi32, #tpu.memory_space<vmem>> -> memref<1x100xi32, #tpu.memory_space<vmem>>
        %dma_wait3A_44 = tpu.memref_squeeze %dma_wait3A_43 : memref<1x100xi32, #tpu.memory_space<vmem>> -> memref<100xi32, #tpu.memory_space<vmem>>
        %dma_wait3A_45 = arith.constant 0 : i32
        %dma_wait3A_46 = arith.constant 0 : i32
        %dma_wait3A_47 = tpu.memref_slice %arg2[%dma_wait3A_45, %dma_wait3A_46] : memref<10000x128xf32, #tpu.memory_space<hbm>> -> memref<10000x128xf32, #tpu.memory_space<hbm>>
        tpu.wait_indirect_dma semaphore(%arg18 : memref<!tpu.dma_semaphore, #tpu.memory_space<semaphore_mem>>) src(%dma_wait3A_47 : memref<10000x128xf32, #tpu.memory_space<hbm>>) dst(%arg13 : memref<100x128xf32, #tpu.memory_space<vmem>>)
        %add3A_48 = arith.constant 1 : i32
        %add3A_49 = arith.addi %mul3A_25, %add3A_48 : i32
        "tpu.region"() ({
          %run_scoped3A = tpu.sem_alloc : memref<!tpu.dma_semaphore, #tpu.memory_space<semaphore_mem>>
          %dma_start3A_52 = arith.constant 0 : i32
          %dma_start3A_53 = tpu.memref_slice %arg11[%add3A_49, %dma_start3A_52] : memref<20x100xi32, #tpu.memory_space<vmem>> -> memref<1x100xi32, #tpu.memory_space<vmem>>
          %dma_start3A_54 = tpu.memref_squeeze %dma_start3A_53 : memref<1x100xi32, #tpu.memory_space<vmem>> -> memref<100xi32, #tpu.memory_space<vmem>>
          %dma_start3A_55 = arith.constant 0 : i32
          %dma_start3A_56 = arith.constant 0 : i32
          %dma_start3A_57 = tpu.memref_slice %arg15[%dma_start3A_55, %dma_start3A_56] : memref<10240x128xf32, #tpu.memory_space<vmem_shared>> -> memref<10240x128xf32, #tpu.memory_space<vmem_shared>>
          tpu.enqueue_indirect_dma source(%arg13 : memref<100x128xf32, #tpu.memory_space<vmem>>) target(%dma_start3A_57 : memref<10240x128xf32, #tpu.memory_space<vmem_shared>>) offsets(%dma_start3A_54 : memref<100xi32, #tpu.memory_space<vmem>>) semaphore(%run_scoped3A : memref<!tpu.dma_semaphore, #tpu.memory_space<semaphore_mem>>) {add = true}
          %dma_wait3A_58 = arith.constant 0 : i32
          %dma_wait3A_59 = tpu.memref_slice %arg11[%add3A_49, %dma_wait3A_58] : memref<20x100xi32, #tpu.memory_space<vmem>> -> memref<1x100xi32, #tpu.memory_space<vmem>>
          %dma_wait3A_60 = tpu.memref_squeeze %dma_wait3A_59 : memref<1x100xi32, #tpu.memory_space<vmem>> -> memref<100xi32, #tpu.memory_space<vmem>>
          %dma_wait3A_61 = arith.constant 0 : i32
          %dma_wait3A_62 = arith.constant 0 : i32
          %dma_wait3A_63 = tpu.memref_slice %arg15[%dma_wait3A_61, %dma_wait3A_62] : memref<10240x128xf32, #tpu.memory_space<vmem_shared>> -> memref<10240x128xf32, #tpu.memory_space<vmem_shared>>
          tpu.wait_indirect_dma semaphore(%run_scoped3A : memref<!tpu.dma_semaphore, #tpu.memory_space<semaphore_mem>>) src(%arg13 : memref<100x128xf32, #tpu.memory_space<vmem>>) dst(%dma_wait3A_63 : memref<10240x128xf32, #tpu.memory_space<vmem_shared>>)
          tpu.yield
        }) : () -> ()
        %add3A_50 = arith.constant 1 : i32
        %add3A_51 = arith.addi %mul3A_25, %add3A_50 : i32
        "tpu.region"() ({
          %run_scoped3A = tpu.sem_alloc : memref<!tpu.dma_semaphore, #tpu.memory_space<semaphore_mem>>
          %dma_start3A_52 = arith.constant 0 : i32
          %dma_start3A_53 = tpu.memref_slice %arg11[%add3A_51, %dma_start3A_52] : memref<20x100xi32, #tpu.memory_space<vmem>> -> memref<1x100xi32, #tpu.memory_space<vmem>>
          %dma_start3A_54 = tpu.memref_squeeze %dma_start3A_53 : memref<1x100xi32, #tpu.memory_space<vmem>> -> memref<100xi32, #tpu.memory_space<vmem>>
          %dma_start3A_55 = arith.constant 0 : i32
          %dma_start3A_56 = arith.constant 0 : i32
          %dma_start3A_57 = tpu.memref_slice %arg16[%dma_start3A_55, %dma_start3A_56] : memref<10240x16xf32, #tpu.memory_space<vmem_shared>> -> memref<10240x16xf32, #tpu.memory_space<vmem_shared>>
          tpu.enqueue_indirect_dma source(%arg14 : memref<100x16xf32, #tpu.memory_space<vmem>>) target(%dma_start3A_57 : memref<10240x16xf32, #tpu.memory_space<vmem_shared>>) offsets(%dma_start3A_54 : memref<100xi32, #tpu.memory_space<vmem>>) semaphore(%run_scoped3A : memref<!tpu.dma_semaphore, #tpu.memory_space<semaphore_mem>>) {add = true}
          %dma_wait3A_58 = arith.constant 0 : i32
          %dma_wait3A_59 = tpu.memref_slice %arg11[%add3A_51, %dma_wait3A_58] : memref<20x100xi32, #tpu.memory_space<vmem>> -> memref<1x100xi32, #tpu.memory_space<vmem>>
          %dma_wait3A_60 = tpu.memref_squeeze %dma_wait3A_59 : memref<1x100xi32, #tpu.memory_space<vmem>> -> memref<100xi32, #tpu.memory_space<vmem>>
          %dma_wait3A_61 = arith.constant 0 : i32
          %dma_wait3A_62 = arith.constant 0 : i32
          %dma_wait3A_63 = tpu.memref_slice %arg16[%dma_wait3A_61, %dma_wait3A_62] : memref<10240x16xf32, #tpu.memory_space<vmem_shared>> -> memref<10240x16xf32, #tpu.memory_space<vmem_shared>>
          tpu.wait_indirect_dma semaphore(%run_scoped3A : memref<!tpu.dma_semaphore, #tpu.memory_space<semaphore_mem>>) src(%arg14 : memref<100x16xf32, #tpu.memory_space<vmem>>) dst(%dma_wait3A_63 : memref<10240x16xf32, #tpu.memory_space<vmem_shared>>)
          tpu.yield
        }) : () -> ()
      }
      %scan3A_22 = arith.constant 10 : i32
    }
    %scan3A_5 = arith.constant 5 : i32
    %barrier3A_6 = arith.constant 0 : index
    tpu.barrier barrier_id(%barrier3A_6)
    "tpu.region"() ({
      %run_scoped3A = tpu.sem_alloc : memref<!tpu.dma_semaphore, #tpu.memory_space<semaphore_mem>>
      %dma_start3A = arith.constant 0 : i32
      %dma_start3A_7 = tpu.memref_slice %arg8[%arg0, %mul3A_0, %dma_start3A] : memref<2x10240x128xf32, #tpu.memory_space<hbm>> -> memref<1x640x128xf32, #tpu.memory_space<hbm>>
      %dma_start3A_8 = tpu.memref_squeeze %dma_start3A_7 : memref<1x640x128xf32, #tpu.memory_space<hbm>> -> memref<640x128xf32, #tpu.memory_space<hbm>>
      %dma_start3A_9 = arith.constant 0 : i32
      %dma_start3A_10 = tpu.memref_slice %arg15[%mul3A_0, %dma_start3A_9] : memref<10240x128xf32, #tpu.memory_space<vmem_shared>> -> memref<640x128xf32, #tpu.memory_space<vmem_shared>>
      tpu.enqueue_dma source(%dma_start3A_10 : memref<640x128xf32, #tpu.memory_space<vmem_shared>>) target(%dma_start3A_8 : memref<640x128xf32, #tpu.memory_space<hbm>>) target_semaphore(%run_scoped3A : memref<!tpu.dma_semaphore, #tpu.memory_space<semaphore_mem>>)
      %dma_wait3A = arith.constant 0 : i32
      %dma_wait3A_11 = tpu.memref_slice %arg8[%arg0, %mul3A_0, %dma_wait3A] : memref<2x10240x128xf32, #tpu.memory_space<hbm>> -> memref<1x640x128xf32, #tpu.memory_space<hbm>>
      %dma_wait3A_12 = tpu.memref_squeeze %dma_wait3A_11 : memref<1x640x128xf32, #tpu.memory_space<hbm>> -> memref<640x128xf32, #tpu.memory_space<hbm>>
      %dma_wait3A_13 = arith.constant 0 : i32
      %dma_wait3A_14 = tpu.memref_slice %arg15[%mul3A_0, %dma_wait3A_13] : memref<10240x128xf32, #tpu.memory_space<vmem_shared>> -> memref<640x128xf32, #tpu.memory_space<vmem_shared>>
      tpu.wait_dma2 semaphore(%run_scoped3A : memref<!tpu.dma_semaphore, #tpu.memory_space<semaphore_mem>>) src(%dma_wait3A_14 : memref<640x128xf32, #tpu.memory_space<vmem_shared>>) dst(%dma_wait3A_12 : memref<640x128xf32, #tpu.memory_space<hbm>>)
      tpu.yield
    }) : () -> ()
    "tpu.region"() ({
      %run_scoped3A = tpu.sem_alloc : memref<!tpu.dma_semaphore, #tpu.memory_space<semaphore_mem>>
      %dma_start3A = arith.constant 0 : i32
      %dma_start3A_7 = tpu.memref_slice %arg9[%arg0, %mul3A_0, %dma_start3A] : memref<2x10240x16xf32, #tpu.memory_space<hbm>> -> memref<1x640x16xf32, #tpu.memory_space<hbm>>
      %dma_start3A_8 = tpu.memref_squeeze %dma_start3A_7 : memref<1x640x16xf32, #tpu.memory_space<hbm>> -> memref<640x16xf32, #tpu.memory_space<hbm>>
      %dma_start3A_9 = arith.constant 0 : i32
      %dma_start3A_10 = tpu.memref_slice %arg16[%mul3A_0, %dma_start3A_9] : memref<10240x16xf32, #tpu.memory_space<vmem_shared>> -> memref<640x16xf32, #tpu.memory_space<vmem_shared>>
      tpu.enqueue_dma source(%dma_start3A_10 : memref<640x16xf32, #tpu.memory_space<vmem_shared>>) target(%dma_start3A_8 : memref<640x16xf32, #tpu.memory_space<hbm>>) target_semaphore(%run_scoped3A : memref<!tpu.dma_semaphore, #tpu.memory_space<semaphore_mem>>)
      %dma_wait3A = arith.constant 0 : i32
      %dma_wait3A_11 = tpu.memref_slice %arg9[%arg0, %mul3A_0, %dma_wait3A] : memref<2x10240x16xf32, #tpu.memory_space<hbm>> -> memref<1x640x16xf32, #tpu.memory_space<hbm>>
      %dma_wait3A_12 = tpu.memref_squeeze %dma_wait3A_11 : memref<1x640x16xf32, #tpu.memory_space<hbm>> -> memref<640x16xf32, #tpu.memory_space<hbm>>
      %dma_wait3A_13 = arith.constant 0 : i32
      %dma_wait3A_14 = tpu.memref_slice %arg16[%mul3A_0, %dma_wait3A_13] : memref<10240x16xf32, #tpu.memory_space<vmem_shared>> -> memref<640x16xf32, #tpu.memory_space<vmem_shared>>
      tpu.wait_dma2 semaphore(%run_scoped3A : memref<!tpu.dma_semaphore, #tpu.memory_space<semaphore_mem>>) src(%dma_wait3A_14 : memref<640x16xf32, #tpu.memory_space<vmem_shared>>) dst(%dma_wait3A_12 : memref<640x16xf32, #tpu.memory_space<hbm>>)
      tpu.yield
    }) : () -> ()
    return
  }
}

#map = affine_map<(d0, d1) -> (0, 0, 0)>
#map1 = affine_map<(d0, d1) -> (0, 0)>
module attributes {stable_mosaic.version = 14 : i64} {
  func.func @_agg2_body(%arg0: i32, %arg1: i32, %arg2: memref<2x10000x128xf32, #tpu.memory_space<hbm>>, %arg3: memref<16x200x100xi32, #tpu.memory_space<hbm>>, %arg4: memref<16x200x100xi32, #tpu.memory_space<hbm>>, %arg5: memref<640x128xf32, #tpu.memory_space<hbm>>, %arg6: memref<2x10240x128xf32, #tpu.memory_space<hbm>>, %arg7: memref<40x100xi32, #tpu.memory_space<vmem>>, %arg8: memref<40x100xi32, #tpu.memory_space<vmem>>, %arg9: memref<100x128xf32, #tpu.memory_space<vmem>>, %arg10: memref<100x128xf32, #tpu.memory_space<vmem>>, %arg11: memref<10240x128xf32, #tpu.memory_space<vmem_shared>>, %arg12: memref<!tpu.dma_semaphore, #tpu.memory_space<semaphore_mem>>, %arg13: memref<!tpu.dma_semaphore, #tpu.memory_space<semaphore_mem>>) attributes {dimension_semantics = [#tpu.dimension_semantics<core_parallel>, #tpu.dimension_semantics<subcore_parallel>], iteration_bounds = array<i64: 2, 16>, scalar_prefetch = 0 : i64, scratch_operands = 7 : i64, tpu.core_type = #tpu.core_type<sc_vector_subcore>, window_params = [{transform_indices = #map}, {transform_indices = #map}, {transform_indices = #map}, {transform_indices = #map1}, {transform_indices = #map}]} {
    %mul3A = arith.constant 640 : i32
    %mul3A_0 = arith.muli %arg1, %mul3A : i32
    "tpu.region"() ({
      %run_scoped3A = tpu.sem_alloc : memref<!tpu.dma_semaphore, #tpu.memory_space<semaphore_mem>>
      %dma_start3A = arith.constant 0 : i32
      %dma_start3A_11 = tpu.memref_slice %arg11[%mul3A_0, %dma_start3A] : memref<10240x128xf32, #tpu.memory_space<vmem_shared>> -> memref<640x128xf32, #tpu.memory_space<vmem_shared>>
      tpu.enqueue_dma source(%arg5 : memref<640x128xf32, #tpu.memory_space<hbm>>) target(%dma_start3A_11 : memref<640x128xf32, #tpu.memory_space<vmem_shared>>) target_semaphore(%run_scoped3A : memref<!tpu.dma_semaphore, #tpu.memory_space<semaphore_mem>>)
      %dma_wait3A = arith.constant 0 : i32
      %dma_wait3A_12 = tpu.memref_slice %arg11[%mul3A_0, %dma_wait3A] : memref<10240x128xf32, #tpu.memory_space<vmem_shared>> -> memref<640x128xf32, #tpu.memory_space<vmem_shared>>
      tpu.wait_dma2 semaphore(%run_scoped3A : memref<!tpu.dma_semaphore, #tpu.memory_space<semaphore_mem>>) src(%arg5 : memref<640x128xf32, #tpu.memory_space<hbm>>) dst(%dma_wait3A_12 : memref<640x128xf32, #tpu.memory_space<vmem_shared>>)
      tpu.yield
    }) : () -> ()
    %barrier3A = arith.constant 0 : index
    tpu.barrier barrier_id(%barrier3A)
    %eq3A = arith.constant 0 : i32
    %eq3A_1 = arith.cmpi eq, %arg0, %eq3A : i32
    %convert_element_type3A = arith.extui %eq3A_1 : i1 to i32
    %cond3A = arith.constant 0 : i32
    %cond3A_2 = arith.cmpi ne, %convert_element_type3A, %cond3A : i32
    scf.if %cond3A_2 {
      %scan3A = arith.constant 0 : i32
      %scan3A_11 = arith.constant 0 : i32
      %scan3A_12 = arith.constant 0 : i32
      %scan3A_13 = arith.constant 5 : i32
      %scan3A_14 = arith.addi %scan3A_12, %scan3A_13 : i32
      %scan3A_15 = arith.constant 1 : i32
      scf.for %scan3A_17 = %scan3A_12 to %scan3A_14 step %scan3A_15  : i32 {
        %mul3A_18 = arith.constant 40 : i32
        %mul3A_19 = arith.muli %scan3A_17, %mul3A_18 : i32
        "tpu.region"() ({
          %run_scoped3A = tpu.sem_alloc : memref<!tpu.dma_semaphore, #tpu.memory_space<semaphore_mem>>
          %dma_start3A_37 = arith.constant 0 : i32
          %dma_start3A_38 = tpu.memref_slice %arg3[%arg1, %mul3A_19, %dma_start3A_37] : memref<16x200x100xi32, #tpu.memory_space<hbm>> -> memref<1x40x100xi32, #tpu.memory_space<hbm>>
          %dma_start3A_39 = tpu.memref_squeeze %dma_start3A_38 : memref<1x40x100xi32, #tpu.memory_space<hbm>> -> memref<40x100xi32, #tpu.memory_space<hbm>>
          %dma_start3A_40 = arith.constant 0 : i32
          %dma_start3A_41 = tpu.memref_slice %arg3[%arg1, %mul3A_19, %dma_start3A_40] : memref<16x200x100xi32, #tpu.memory_space<hbm>> -> memref<1x40x100xi32, #tpu.memory_space<hbm>>
          %dma_start3A_42 = tpu.memref_squeeze %dma_start3A_41 : memref<1x40x100xi32, #tpu.memory_space<hbm>> -> memref<40x100xi32, #tpu.memory_space<hbm>>
          tpu.enqueue_dma source(%dma_start3A_42 : memref<40x100xi32, #tpu.memory_space<hbm>>) target(%arg7 : memref<40x100xi32, #tpu.memory_space<vmem>>) target_semaphore(%run_scoped3A : memref<!tpu.dma_semaphore, #tpu.memory_space<semaphore_mem>>)
          %dma_wait3A = arith.constant 0 : i32
          %dma_wait3A_43 = tpu.memref_slice %arg3[%arg1, %mul3A_19, %dma_wait3A] : memref<16x200x100xi32, #tpu.memory_space<hbm>> -> memref<1x40x100xi32, #tpu.memory_space<hbm>>
          %dma_wait3A_44 = tpu.memref_squeeze %dma_wait3A_43 : memref<1x40x100xi32, #tpu.memory_space<hbm>> -> memref<40x100xi32, #tpu.memory_space<hbm>>
          %dma_wait3A_45 = arith.constant 0 : i32
          %dma_wait3A_46 = tpu.memref_slice %arg3[%arg1, %mul3A_19, %dma_wait3A_45] : memref<16x200x100xi32, #tpu.memory_space<hbm>> -> memref<1x40x100xi32, #tpu.memory_space<hbm>>
          %dma_wait3A_47 = tpu.memref_squeeze %dma_wait3A_46 : memref<1x40x100xi32, #tpu.memory_space<hbm>> -> memref<40x100xi32, #tpu.memory_space<hbm>>
          tpu.wait_dma2 semaphore(%run_scoped3A : memref<!tpu.dma_semaphore, #tpu.memory_space<semaphore_mem>>) src(%dma_wait3A_47 : memref<40x100xi32, #tpu.memory_space<hbm>>) dst(%arg7 : memref<40x100xi32, #tpu.memory_space<vmem>>)
          tpu.yield
        }) : () -> ()
        %mul3A_20 = arith.constant 40 : i32
        %mul3A_21 = arith.muli %scan3A_17, %mul3A_20 : i32
        "tpu.region"() ({
          %run_scoped3A = tpu.sem_alloc : memref<!tpu.dma_semaphore, #tpu.memory_space<semaphore_mem>>
          %dma_start3A_37 = arith.constant 0 : i32
          %dma_start3A_38 = tpu.memref_slice %arg4[%arg1, %mul3A_21, %dma_start3A_37] : memref<16x200x100xi32, #tpu.memory_space<hbm>> -> memref<1x40x100xi32, #tpu.memory_space<hbm>>
          %dma_start3A_39 = tpu.memref_squeeze %dma_start3A_38 : memref<1x40x100xi32, #tpu.memory_space<hbm>> -> memref<40x100xi32, #tpu.memory_space<hbm>>
          %dma_start3A_40 = arith.constant 0 : i32
          %dma_start3A_41 = tpu.memref_slice %arg4[%arg1, %mul3A_21, %dma_start3A_40] : memref<16x200x100xi32, #tpu.memory_space<hbm>> -> memref<1x40x100xi32, #tpu.memory_space<hbm>>
          %dma_start3A_42 = tpu.memref_squeeze %dma_start3A_41 : memref<1x40x100xi32, #tpu.memory_space<hbm>> -> memref<40x100xi32, #tpu.memory_space<hbm>>
          tpu.enqueue_dma source(%dma_start3A_42 : memref<40x100xi32, #tpu.memory_space<hbm>>) target(%arg8 : memref<40x100xi32, #tpu.memory_space<vmem>>) target_semaphore(%run_scoped3A : memref<!tpu.dma_semaphore, #tpu.memory_space<semaphore_mem>>)
          %dma_wait3A = arith.constant 0 : i32
          %dma_wait3A_43 = tpu.memref_slice %arg4[%arg1, %mul3A_21, %dma_wait3A] : memref<16x200x100xi32, #tpu.memory_space<hbm>> -> memref<1x40x100xi32, #tpu.memory_space<hbm>>
          %dma_wait3A_44 = tpu.memref_squeeze %dma_wait3A_43 : memref<1x40x100xi32, #tpu.memory_space<hbm>> -> memref<40x100xi32, #tpu.memory_space<hbm>>
          %dma_wait3A_45 = arith.constant 0 : i32
          %dma_wait3A_46 = tpu.memref_slice %arg4[%arg1, %mul3A_21, %dma_wait3A_45] : memref<16x200x100xi32, #tpu.memory_space<hbm>> -> memref<1x40x100xi32, #tpu.memory_space<hbm>>
          %dma_wait3A_47 = tpu.memref_squeeze %dma_wait3A_46 : memref<1x40x100xi32, #tpu.memory_space<hbm>> -> memref<40x100xi32, #tpu.memory_space<hbm>>
          tpu.wait_dma2 semaphore(%run_scoped3A : memref<!tpu.dma_semaphore, #tpu.memory_space<semaphore_mem>>) src(%dma_wait3A_47 : memref<40x100xi32, #tpu.memory_space<hbm>>) dst(%arg8 : memref<40x100xi32, #tpu.memory_space<vmem>>)
          tpu.yield
        }) : () -> ()
        %dma_start3A = arith.constant 0 : i32
        %dma_start3A_22 = arith.constant 0 : i32
        %dma_start3A_23 = tpu.memref_slice %arg7[%dma_start3A, %dma_start3A_22] : memref<40x100xi32, #tpu.memory_space<vmem>> -> memref<1x100xi32, #tpu.memory_space<vmem>>
        %dma_start3A_24 = tpu.memref_squeeze %dma_start3A_23 : memref<1x100xi32, #tpu.memory_space<vmem>> -> memref<100xi32, #tpu.memory_space<vmem>>
        %dma_start3A_25 = arith.constant 0 : i32
        %dma_start3A_26 = arith.constant 0 : i32
        %dma_start3A_27 = tpu.memref_slice %arg2[%scan3A_11, %dma_start3A_25, %dma_start3A_26] : memref<2x10000x128xf32, #tpu.memory_space<hbm>> -> memref<1x10000x128xf32, #tpu.memory_space<hbm>>
        %dma_start3A_28 = tpu.memref_squeeze %dma_start3A_27 : memref<1x10000x128xf32, #tpu.memory_space<hbm>> -> memref<10000x128xf32, #tpu.memory_space<hbm>>
        %dma_start3A_29 = arith.constant 0 : i32
        %dma_start3A_30 = arith.constant 0 : i32
        %dma_start3A_31 = tpu.memref_slice %dma_start3A_28[%dma_start3A_29, %dma_start3A_30] : memref<10000x128xf32, #tpu.memory_space<hbm>> -> memref<10000x128xf32, #tpu.memory_space<hbm>>
        tpu.enqueue_indirect_dma source(%dma_start3A_31 : memref<10000x128xf32, #tpu.memory_space<hbm>>) target(%arg9 : memref<100x128xf32, #tpu.memory_space<vmem>>) offsets(%dma_start3A_24 : memref<100xi32, #tpu.memory_space<vmem>>) semaphore(%arg12 : memref<!tpu.dma_semaphore, #tpu.memory_space<semaphore_mem>>)
        %scan3A_32 = arith.constant 0 : i32
        %scan3A_33 = arith.constant 20 : i32
        %scan3A_34 = arith.addi %scan3A_32, %scan3A_33 : i32
        %scan3A_35 = arith.constant 1 : i32
        scf.for %scan3A_37 = %scan3A_32 to %scan3A_34 step %scan3A_35  : i32 {
          %mul3A_38 = arith.constant 2 : i32
          %mul3A_39 = arith.muli %mul3A_38, %scan3A_37 : i32
          %add3A = arith.constant 1 : i32
          %add3A_40 = arith.addi %mul3A_39, %add3A : i32
          %dma_start3A_41 = arith.constant 0 : i32
          %dma_start3A_42 = tpu.memref_slice %arg7[%add3A_40, %dma_start3A_41] : memref<40x100xi32, #tpu.memory_space<vmem>> -> memref<1x100xi32, #tpu.memory_space<vmem>>
          %dma_start3A_43 = tpu.memref_squeeze %dma_start3A_42 : memref<1x100xi32, #tpu.memory_space<vmem>> -> memref<100xi32, #tpu.memory_space<vmem>>
          %dma_start3A_44 = arith.constant 0 : i32
          %dma_start3A_45 = arith.constant 0 : i32
          %dma_start3A_46 = tpu.memref_slice %arg2[%scan3A_11, %dma_start3A_44, %dma_start3A_45] : memref<2x10000x128xf32, #tpu.memory_space<hbm>> -> memref<1x10000x128xf32, #tpu.memory_space<hbm>>
          %dma_start3A_47 = tpu.memref_squeeze %dma_start3A_46 : memref<1x10000x128xf32, #tpu.memory_space<hbm>> -> memref<10000x128xf32, #tpu.memory_space<hbm>>
          %dma_start3A_48 = arith.constant 0 : i32
          %dma_start3A_49 = arith.constant 0 : i32
          %dma_start3A_50 = tpu.memref_slice %dma_start3A_47[%dma_start3A_48, %dma_start3A_49] : memref<10000x128xf32, #tpu.memory_space<hbm>> -> memref<10000x128xf32, #tpu.memory_space<hbm>>
          tpu.enqueue_indirect_dma source(%dma_start3A_50 : memref<10000x128xf32, #tpu.memory_space<hbm>>) target(%arg10 : memref<100x128xf32, #tpu.memory_space<vmem>>) offsets(%dma_start3A_43 : memref<100xi32, #tpu.memory_space<vmem>>) semaphore(%arg13 : memref<!tpu.dma_semaphore, #tpu.memory_space<semaphore_mem>>)
          %dma_wait3A = arith.constant 0 : i32
          %dma_wait3A_51 = tpu.memref_slice %arg7[%mul3A_39, %dma_wait3A] : memref<40x100xi32, #tpu.memory_space<vmem>> -> memref<1x100xi32, #tpu.memory_space<vmem>>
          %dma_wait3A_52 = tpu.memref_squeeze %dma_wait3A_51 : memref<1x100xi32, #tpu.memory_space<vmem>> -> memref<100xi32, #tpu.memory_space<vmem>>
          %dma_wait3A_53 = arith.constant 0 : i32
          %dma_wait3A_54 = arith.constant 0 : i32
          %dma_wait3A_55 = tpu.memref_slice %arg2[%scan3A_11, %dma_wait3A_53, %dma_wait3A_54] : memref<2x10000x128xf32, #tpu.memory_space<hbm>> -> memref<1x10000x128xf32, #tpu.memory_space<hbm>>
          %dma_wait3A_56 = tpu.memref_squeeze %dma_wait3A_55 : memref<1x10000x128xf32, #tpu.memory_space<hbm>> -> memref<10000x128xf32, #tpu.memory_space<hbm>>
          %dma_wait3A_57 = arith.constant 0 : i32
          %dma_wait3A_58 = arith.constant 0 : i32
          %dma_wait3A_59 = tpu.memref_slice %dma_wait3A_56[%dma_wait3A_57, %dma_wait3A_58] : memref<10000x128xf32, #tpu.memory_space<hbm>> -> memref<10000x128xf32, #tpu.memory_space<hbm>>
          tpu.wait_indirect_dma semaphore(%arg12 : memref<!tpu.dma_semaphore, #tpu.memory_space<semaphore_mem>>) src(%dma_wait3A_59 : memref<10000x128xf32, #tpu.memory_space<hbm>>) dst(%arg9 : memref<100x128xf32, #tpu.memory_space<vmem>>)
          "tpu.region"() ({
            %run_scoped3A = tpu.sem_alloc : memref<!tpu.dma_semaphore, #tpu.memory_space<semaphore_mem>>
            %dma_start3A_78 = arith.constant 0 : i32
            %dma_start3A_79 = tpu.memref_slice %arg8[%mul3A_39, %dma_start3A_78] : memref<40x100xi32, #tpu.memory_space<vmem>> -> memref<1x100xi32, #tpu.memory_space<vmem>>
            %dma_start3A_80 = tpu.memref_squeeze %dma_start3A_79 : memref<1x100xi32, #tpu.memory_space<vmem>> -> memref<100xi32, #tpu.memory_space<vmem>>
            %dma_start3A_81 = arith.constant 0 : i32
            %dma_start3A_82 = arith.constant 0 : i32
            %dma_start3A_83 = tpu.memref_slice %arg11[%dma_start3A_81, %dma_start3A_82] : memref<10240x128xf32, #tpu.memory_space<vmem_shared>> -> memref<10240x128xf32, #tpu.memory_space<vmem_shared>>
            tpu.enqueue_indirect_dma source(%arg9 : memref<100x128xf32, #tpu.memory_space<vmem>>) target(%dma_start3A_83 : memref<10240x128xf32, #tpu.memory_space<vmem_shared>>) offsets(%dma_start3A_80 : memref<100xi32, #tpu.memory_space<vmem>>) semaphore(%run_scoped3A : memref<!tpu.dma_semaphore, #tpu.memory_space<semaphore_mem>>) {add = true}
            %dma_wait3A_84 = arith.constant 0 : i32
            %dma_wait3A_85 = tpu.memref_slice %arg8[%mul3A_39, %dma_wait3A_84] : memref<40x100xi32, #tpu.memory_space<vmem>> -> memref<1x100xi32, #tpu.memory_space<vmem>>
            %dma_wait3A_86 = tpu.memref_squeeze %dma_wait3A_85 : memref<1x100xi32, #tpu.memory_space<vmem>> -> memref<100xi32, #tpu.memory_space<vmem>>
            %dma_wait3A_87 = arith.constant 0 : i32
            %dma_wait3A_88 = arith.constant 0 : i32
            %dma_wait3A_89 = tpu.memref_slice %arg11[%dma_wait3A_87, %dma_wait3A_88] : memref<10240x128xf32, #tpu.memory_space<vmem_shared>> -> memref<10240x128xf32, #tpu.memory_space<vmem_shared>>
            tpu.wait_indirect_dma semaphore(%run_scoped3A : memref<!tpu.dma_semaphore, #tpu.memory_space<semaphore_mem>>) src(%arg9 : memref<100x128xf32, #tpu.memory_space<vmem>>) dst(%dma_wait3A_89 : memref<10240x128xf32, #tpu.memory_space<vmem_shared>>)
            tpu.yield
          }) : () -> ()
          %lt3A = arith.constant 19 : i32
          %lt3A_60 = arith.cmpi slt, %scan3A_37, %lt3A : i32
          %convert_element_type3A_61 = arith.extui %lt3A_60 : i1 to i32
          %cond3A_62 = arith.constant 0 : i32
          %cond3A_63 = arith.cmpi ne, %convert_element_type3A_61, %cond3A_62 : i32
          scf.if %cond3A_63 {
            %add3A_78 = arith.constant 2 : i32
            %add3A_79 = arith.addi %mul3A_39, %add3A_78 : i32
            %dma_start3A_80 = arith.constant 0 : i32
            %dma_start3A_81 = tpu.memref_slice %arg7[%add3A_79, %dma_start3A_80] : memref<40x100xi32, #tpu.memory_space<vmem>> -> memref<1x100xi32, #tpu.memory_space<vmem>>
            %dma_start3A_82 = tpu.memref_squeeze %dma_start3A_81 : memref<1x100xi32, #tpu.memory_space<vmem>> -> memref<100xi32, #tpu.memory_space<vmem>>
            %dma_start3A_83 = arith.constant 0 : i32
            %dma_start3A_84 = arith.constant 0 : i32
            %dma_start3A_85 = tpu.memref_slice %arg2[%scan3A_11, %dma_start3A_83, %dma_start3A_84] : memref<2x10000x128xf32, #tpu.memory_space<hbm>> -> memref<1x10000x128xf32, #tpu.memory_space<hbm>>
            %dma_start3A_86 = tpu.memref_squeeze %dma_start3A_85 : memref<1x10000x128xf32, #tpu.memory_space<hbm>> -> memref<10000x128xf32, #tpu.memory_space<hbm>>
            %dma_start3A_87 = arith.constant 0 : i32
            %dma_start3A_88 = arith.constant 0 : i32
            %dma_start3A_89 = tpu.memref_slice %dma_start3A_86[%dma_start3A_87, %dma_start3A_88] : memref<10000x128xf32, #tpu.memory_space<hbm>> -> memref<10000x128xf32, #tpu.memory_space<hbm>>
            tpu.enqueue_indirect_dma source(%dma_start3A_89 : memref<10000x128xf32, #tpu.memory_space<hbm>>) target(%arg9 : memref<100x128xf32, #tpu.memory_space<vmem>>) offsets(%dma_start3A_82 : memref<100xi32, #tpu.memory_space<vmem>>) semaphore(%arg12 : memref<!tpu.dma_semaphore, #tpu.memory_space<semaphore_mem>>)
          } else {
          }
          %add3A_64 = arith.constant 1 : i32
          %add3A_65 = arith.addi %mul3A_39, %add3A_64 : i32
          %dma_wait3A_66 = arith.constant 0 : i32
          %dma_wait3A_67 = tpu.memref_slice %arg7[%add3A_65, %dma_wait3A_66] : memref<40x100xi32, #tpu.memory_space<vmem>> -> memref<1x100xi32, #tpu.memory_space<vmem>>
          %dma_wait3A_68 = tpu.memref_squeeze %dma_wait3A_67 : memref<1x100xi32, #tpu.memory_space<vmem>> -> memref<100xi32, #tpu.memory_space<vmem>>
          %dma_wait3A_69 = arith.constant 0 : i32
          %dma_wait3A_70 = arith.constant 0 : i32
          %dma_wait3A_71 = tpu.memref_slice %arg2[%scan3A_11, %dma_wait3A_69, %dma_wait3A_70] : memref<2x10000x128xf32, #tpu.memory_space<hbm>> -> memref<1x10000x128xf32, #tpu.memory_space<hbm>>
          %dma_wait3A_72 = tpu.memref_squeeze %dma_wait3A_71 : memref<1x10000x128xf32, #tpu.memory_space<hbm>> -> memref<10000x128xf32, #tpu.memory_space<hbm>>
          %dma_wait3A_73 = arith.constant 0 : i32
          %dma_wait3A_74 = arith.constant 0 : i32
          %dma_wait3A_75 = tpu.memref_slice %dma_wait3A_72[%dma_wait3A_73, %dma_wait3A_74] : memref<10000x128xf32, #tpu.memory_space<hbm>> -> memref<10000x128xf32, #tpu.memory_space<hbm>>
          tpu.wait_indirect_dma semaphore(%arg13 : memref<!tpu.dma_semaphore, #tpu.memory_space<semaphore_mem>>) src(%dma_wait3A_75 : memref<10000x128xf32, #tpu.memory_space<hbm>>) dst(%arg10 : memref<100x128xf32, #tpu.memory_space<vmem>>)
          %add3A_76 = arith.constant 1 : i32
          %add3A_77 = arith.addi %mul3A_39, %add3A_76 : i32
          "tpu.region"() ({
            %run_scoped3A = tpu.sem_alloc : memref<!tpu.dma_semaphore, #tpu.memory_space<semaphore_mem>>
            %dma_start3A_78 = arith.constant 0 : i32
            %dma_start3A_79 = tpu.memref_slice %arg8[%add3A_77, %dma_start3A_78] : memref<40x100xi32, #tpu.memory_space<vmem>> -> memref<1x100xi32, #tpu.memory_space<vmem>>
            %dma_start3A_80 = tpu.memref_squeeze %dma_start3A_79 : memref<1x100xi32, #tpu.memory_space<vmem>> -> memref<100xi32, #tpu.memory_space<vmem>>
            %dma_start3A_81 = arith.constant 0 : i32
            %dma_start3A_82 = arith.constant 0 : i32
            %dma_start3A_83 = tpu.memref_slice %arg11[%dma_start3A_81, %dma_start3A_82] : memref<10240x128xf32, #tpu.memory_space<vmem_shared>> -> memref<10240x128xf32, #tpu.memory_space<vmem_shared>>
            tpu.enqueue_indirect_dma source(%arg10 : memref<100x128xf32, #tpu.memory_space<vmem>>) target(%dma_start3A_83 : memref<10240x128xf32, #tpu.memory_space<vmem_shared>>) offsets(%dma_start3A_80 : memref<100xi32, #tpu.memory_space<vmem>>) semaphore(%run_scoped3A : memref<!tpu.dma_semaphore, #tpu.memory_space<semaphore_mem>>) {add = true}
            %dma_wait3A_84 = arith.constant 0 : i32
            %dma_wait3A_85 = tpu.memref_slice %arg8[%add3A_77, %dma_wait3A_84] : memref<40x100xi32, #tpu.memory_space<vmem>> -> memref<1x100xi32, #tpu.memory_space<vmem>>
            %dma_wait3A_86 = tpu.memref_squeeze %dma_wait3A_85 : memref<1x100xi32, #tpu.memory_space<vmem>> -> memref<100xi32, #tpu.memory_space<vmem>>
            %dma_wait3A_87 = arith.constant 0 : i32
            %dma_wait3A_88 = arith.constant 0 : i32
            %dma_wait3A_89 = tpu.memref_slice %arg11[%dma_wait3A_87, %dma_wait3A_88] : memref<10240x128xf32, #tpu.memory_space<vmem_shared>> -> memref<10240x128xf32, #tpu.memory_space<vmem_shared>>
            tpu.wait_indirect_dma semaphore(%run_scoped3A : memref<!tpu.dma_semaphore, #tpu.memory_space<semaphore_mem>>) src(%arg10 : memref<100x128xf32, #tpu.memory_space<vmem>>) dst(%dma_wait3A_89 : memref<10240x128xf32, #tpu.memory_space<vmem_shared>>)
            tpu.yield
          }) : () -> ()
        }
        %scan3A_36 = arith.constant 20 : i32
      }
      %scan3A_16 = arith.constant 5 : i32
    } else {
    }
    %eq3A_3 = arith.constant 1 : i32
    %eq3A_4 = arith.cmpi eq, %arg0, %eq3A_3 : i32
    %convert_element_type3A_5 = arith.extui %eq3A_4 : i1 to i32
    %cond3A_6 = arith.constant 0 : i32
    %cond3A_7 = arith.cmpi ne, %convert_element_type3A_5, %cond3A_6 : i32
    scf.if %cond3A_7 {
      %scan3A = arith.constant 0 : i32
      %scan3A_11 = arith.constant 1 : i32
      %scan3A_12 = arith.constant 0 : i32
      %scan3A_13 = arith.constant 5 : i32
      %scan3A_14 = arith.addi %scan3A_12, %scan3A_13 : i32
      %scan3A_15 = arith.constant 1 : i32
      scf.for %scan3A_17 = %scan3A_12 to %scan3A_14 step %scan3A_15  : i32 {
        %mul3A_18 = arith.constant 40 : i32
        %mul3A_19 = arith.muli %scan3A_17, %mul3A_18 : i32
        "tpu.region"() ({
          %run_scoped3A = tpu.sem_alloc : memref<!tpu.dma_semaphore, #tpu.memory_space<semaphore_mem>>
          %dma_start3A_37 = arith.constant 0 : i32
          %dma_start3A_38 = tpu.memref_slice %arg3[%arg1, %mul3A_19, %dma_start3A_37] : memref<16x200x100xi32, #tpu.memory_space<hbm>> -> memref<1x40x100xi32, #tpu.memory_space<hbm>>
          %dma_start3A_39 = tpu.memref_squeeze %dma_start3A_38 : memref<1x40x100xi32, #tpu.memory_space<hbm>> -> memref<40x100xi32, #tpu.memory_space<hbm>>
          %dma_start3A_40 = arith.constant 0 : i32
          %dma_start3A_41 = tpu.memref_slice %arg3[%arg1, %mul3A_19, %dma_start3A_40] : memref<16x200x100xi32, #tpu.memory_space<hbm>> -> memref<1x40x100xi32, #tpu.memory_space<hbm>>
          %dma_start3A_42 = tpu.memref_squeeze %dma_start3A_41 : memref<1x40x100xi32, #tpu.memory_space<hbm>> -> memref<40x100xi32, #tpu.memory_space<hbm>>
          tpu.enqueue_dma source(%dma_start3A_42 : memref<40x100xi32, #tpu.memory_space<hbm>>) target(%arg7 : memref<40x100xi32, #tpu.memory_space<vmem>>) target_semaphore(%run_scoped3A : memref<!tpu.dma_semaphore, #tpu.memory_space<semaphore_mem>>)
          %dma_wait3A = arith.constant 0 : i32
          %dma_wait3A_43 = tpu.memref_slice %arg3[%arg1, %mul3A_19, %dma_wait3A] : memref<16x200x100xi32, #tpu.memory_space<hbm>> -> memref<1x40x100xi32, #tpu.memory_space<hbm>>
          %dma_wait3A_44 = tpu.memref_squeeze %dma_wait3A_43 : memref<1x40x100xi32, #tpu.memory_space<hbm>> -> memref<40x100xi32, #tpu.memory_space<hbm>>
          %dma_wait3A_45 = arith.constant 0 : i32
          %dma_wait3A_46 = tpu.memref_slice %arg3[%arg1, %mul3A_19, %dma_wait3A_45] : memref<16x200x100xi32, #tpu.memory_space<hbm>> -> memref<1x40x100xi32, #tpu.memory_space<hbm>>
          %dma_wait3A_47 = tpu.memref_squeeze %dma_wait3A_46 : memref<1x40x100xi32, #tpu.memory_space<hbm>> -> memref<40x100xi32, #tpu.memory_space<hbm>>
          tpu.wait_dma2 semaphore(%run_scoped3A : memref<!tpu.dma_semaphore, #tpu.memory_space<semaphore_mem>>) src(%dma_wait3A_47 : memref<40x100xi32, #tpu.memory_space<hbm>>) dst(%arg7 : memref<40x100xi32, #tpu.memory_space<vmem>>)
          tpu.yield
        }) : () -> ()
        %mul3A_20 = arith.constant 40 : i32
        %mul3A_21 = arith.muli %scan3A_17, %mul3A_20 : i32
        "tpu.region"() ({
          %run_scoped3A = tpu.sem_alloc : memref<!tpu.dma_semaphore, #tpu.memory_space<semaphore_mem>>
          %dma_start3A_37 = arith.constant 0 : i32
          %dma_start3A_38 = tpu.memref_slice %arg4[%arg1, %mul3A_21, %dma_start3A_37] : memref<16x200x100xi32, #tpu.memory_space<hbm>> -> memref<1x40x100xi32, #tpu.memory_space<hbm>>
          %dma_start3A_39 = tpu.memref_squeeze %dma_start3A_38 : memref<1x40x100xi32, #tpu.memory_space<hbm>> -> memref<40x100xi32, #tpu.memory_space<hbm>>
          %dma_start3A_40 = arith.constant 0 : i32
          %dma_start3A_41 = tpu.memref_slice %arg4[%arg1, %mul3A_21, %dma_start3A_40] : memref<16x200x100xi32, #tpu.memory_space<hbm>> -> memref<1x40x100xi32, #tpu.memory_space<hbm>>
          %dma_start3A_42 = tpu.memref_squeeze %dma_start3A_41 : memref<1x40x100xi32, #tpu.memory_space<hbm>> -> memref<40x100xi32, #tpu.memory_space<hbm>>
          tpu.enqueue_dma source(%dma_start3A_42 : memref<40x100xi32, #tpu.memory_space<hbm>>) target(%arg8 : memref<40x100xi32, #tpu.memory_space<vmem>>) target_semaphore(%run_scoped3A : memref<!tpu.dma_semaphore, #tpu.memory_space<semaphore_mem>>)
          %dma_wait3A = arith.constant 0 : i32
          %dma_wait3A_43 = tpu.memref_slice %arg4[%arg1, %mul3A_21, %dma_wait3A] : memref<16x200x100xi32, #tpu.memory_space<hbm>> -> memref<1x40x100xi32, #tpu.memory_space<hbm>>
          %dma_wait3A_44 = tpu.memref_squeeze %dma_wait3A_43 : memref<1x40x100xi32, #tpu.memory_space<hbm>> -> memref<40x100xi32, #tpu.memory_space<hbm>>
          %dma_wait3A_45 = arith.constant 0 : i32
          %dma_wait3A_46 = tpu.memref_slice %arg4[%arg1, %mul3A_21, %dma_wait3A_45] : memref<16x200x100xi32, #tpu.memory_space<hbm>> -> memref<1x40x100xi32, #tpu.memory_space<hbm>>
          %dma_wait3A_47 = tpu.memref_squeeze %dma_wait3A_46 : memref<1x40x100xi32, #tpu.memory_space<hbm>> -> memref<40x100xi32, #tpu.memory_space<hbm>>
          tpu.wait_dma2 semaphore(%run_scoped3A : memref<!tpu.dma_semaphore, #tpu.memory_space<semaphore_mem>>) src(%dma_wait3A_47 : memref<40x100xi32, #tpu.memory_space<hbm>>) dst(%arg8 : memref<40x100xi32, #tpu.memory_space<vmem>>)
          tpu.yield
        }) : () -> ()
        %dma_start3A = arith.constant 0 : i32
        %dma_start3A_22 = arith.constant 0 : i32
        %dma_start3A_23 = tpu.memref_slice %arg7[%dma_start3A, %dma_start3A_22] : memref<40x100xi32, #tpu.memory_space<vmem>> -> memref<1x100xi32, #tpu.memory_space<vmem>>
        %dma_start3A_24 = tpu.memref_squeeze %dma_start3A_23 : memref<1x100xi32, #tpu.memory_space<vmem>> -> memref<100xi32, #tpu.memory_space<vmem>>
        %dma_start3A_25 = arith.constant 0 : i32
        %dma_start3A_26 = arith.constant 0 : i32
        %dma_start3A_27 = tpu.memref_slice %arg2[%scan3A_11, %dma_start3A_25, %dma_start3A_26] : memref<2x10000x128xf32, #tpu.memory_space<hbm>> -> memref<1x10000x128xf32, #tpu.memory_space<hbm>>
        %dma_start3A_28 = tpu.memref_squeeze %dma_start3A_27 : memref<1x10000x128xf32, #tpu.memory_space<hbm>> -> memref<10000x128xf32, #tpu.memory_space<hbm>>
        %dma_start3A_29 = arith.constant 0 : i32
        %dma_start3A_30 = arith.constant 0 : i32
        %dma_start3A_31 = tpu.memref_slice %dma_start3A_28[%dma_start3A_29, %dma_start3A_30] : memref<10000x128xf32, #tpu.memory_space<hbm>> -> memref<10000x128xf32, #tpu.memory_space<hbm>>
        tpu.enqueue_indirect_dma source(%dma_start3A_31 : memref<10000x128xf32, #tpu.memory_space<hbm>>) target(%arg9 : memref<100x128xf32, #tpu.memory_space<vmem>>) offsets(%dma_start3A_24 : memref<100xi32, #tpu.memory_space<vmem>>) semaphore(%arg12 : memref<!tpu.dma_semaphore, #tpu.memory_space<semaphore_mem>>)
        %scan3A_32 = arith.constant 0 : i32
        %scan3A_33 = arith.constant 20 : i32
        %scan3A_34 = arith.addi %scan3A_32, %scan3A_33 : i32
        %scan3A_35 = arith.constant 1 : i32
        scf.for %scan3A_37 = %scan3A_32 to %scan3A_34 step %scan3A_35  : i32 {
          %mul3A_38 = arith.constant 2 : i32
          %mul3A_39 = arith.muli %mul3A_38, %scan3A_37 : i32
          %add3A = arith.constant 1 : i32
          %add3A_40 = arith.addi %mul3A_39, %add3A : i32
          %dma_start3A_41 = arith.constant 0 : i32
          %dma_start3A_42 = tpu.memref_slice %arg7[%add3A_40, %dma_start3A_41] : memref<40x100xi32, #tpu.memory_space<vmem>> -> memref<1x100xi32, #tpu.memory_space<vmem>>
          %dma_start3A_43 = tpu.memref_squeeze %dma_start3A_42 : memref<1x100xi32, #tpu.memory_space<vmem>> -> memref<100xi32, #tpu.memory_space<vmem>>
          %dma_start3A_44 = arith.constant 0 : i32
          %dma_start3A_45 = arith.constant 0 : i32
          %dma_start3A_46 = tpu.memref_slice %arg2[%scan3A_11, %dma_start3A_44, %dma_start3A_45] : memref<2x10000x128xf32, #tpu.memory_space<hbm>> -> memref<1x10000x128xf32, #tpu.memory_space<hbm>>
          %dma_start3A_47 = tpu.memref_squeeze %dma_start3A_46 : memref<1x10000x128xf32, #tpu.memory_space<hbm>> -> memref<10000x128xf32, #tpu.memory_space<hbm>>
          %dma_start3A_48 = arith.constant 0 : i32
          %dma_start3A_49 = arith.constant 0 : i32
          %dma_start3A_50 = tpu.memref_slice %dma_start3A_47[%dma_start3A_48, %dma_start3A_49] : memref<10000x128xf32, #tpu.memory_space<hbm>> -> memref<10000x128xf32, #tpu.memory_space<hbm>>
          tpu.enqueue_indirect_dma source(%dma_start3A_50 : memref<10000x128xf32, #tpu.memory_space<hbm>>) target(%arg10 : memref<100x128xf32, #tpu.memory_space<vmem>>) offsets(%dma_start3A_43 : memref<100xi32, #tpu.memory_space<vmem>>) semaphore(%arg13 : memref<!tpu.dma_semaphore, #tpu.memory_space<semaphore_mem>>)
          %dma_wait3A = arith.constant 0 : i32
          %dma_wait3A_51 = tpu.memref_slice %arg7[%mul3A_39, %dma_wait3A] : memref<40x100xi32, #tpu.memory_space<vmem>> -> memref<1x100xi32, #tpu.memory_space<vmem>>
          %dma_wait3A_52 = tpu.memref_squeeze %dma_wait3A_51 : memref<1x100xi32, #tpu.memory_space<vmem>> -> memref<100xi32, #tpu.memory_space<vmem>>
          %dma_wait3A_53 = arith.constant 0 : i32
          %dma_wait3A_54 = arith.constant 0 : i32
          %dma_wait3A_55 = tpu.memref_slice %arg2[%scan3A_11, %dma_wait3A_53, %dma_wait3A_54] : memref<2x10000x128xf32, #tpu.memory_space<hbm>> -> memref<1x10000x128xf32, #tpu.memory_space<hbm>>
          %dma_wait3A_56 = tpu.memref_squeeze %dma_wait3A_55 : memref<1x10000x128xf32, #tpu.memory_space<hbm>> -> memref<10000x128xf32, #tpu.memory_space<hbm>>
          %dma_wait3A_57 = arith.constant 0 : i32
          %dma_wait3A_58 = arith.constant 0 : i32
          %dma_wait3A_59 = tpu.memref_slice %dma_wait3A_56[%dma_wait3A_57, %dma_wait3A_58] : memref<10000x128xf32, #tpu.memory_space<hbm>> -> memref<10000x128xf32, #tpu.memory_space<hbm>>
          tpu.wait_indirect_dma semaphore(%arg12 : memref<!tpu.dma_semaphore, #tpu.memory_space<semaphore_mem>>) src(%dma_wait3A_59 : memref<10000x128xf32, #tpu.memory_space<hbm>>) dst(%arg9 : memref<100x128xf32, #tpu.memory_space<vmem>>)
          "tpu.region"() ({
            %run_scoped3A = tpu.sem_alloc : memref<!tpu.dma_semaphore, #tpu.memory_space<semaphore_mem>>
            %dma_start3A_78 = arith.constant 0 : i32
            %dma_start3A_79 = tpu.memref_slice %arg8[%mul3A_39, %dma_start3A_78] : memref<40x100xi32, #tpu.memory_space<vmem>> -> memref<1x100xi32, #tpu.memory_space<vmem>>
            %dma_start3A_80 = tpu.memref_squeeze %dma_start3A_79 : memref<1x100xi32, #tpu.memory_space<vmem>> -> memref<100xi32, #tpu.memory_space<vmem>>
            %dma_start3A_81 = arith.constant 0 : i32
            %dma_start3A_82 = arith.constant 0 : i32
            %dma_start3A_83 = tpu.memref_slice %arg11[%dma_start3A_81, %dma_start3A_82] : memref<10240x128xf32, #tpu.memory_space<vmem_shared>> -> memref<10240x128xf32, #tpu.memory_space<vmem_shared>>
            tpu.enqueue_indirect_dma source(%arg9 : memref<100x128xf32, #tpu.memory_space<vmem>>) target(%dma_start3A_83 : memref<10240x128xf32, #tpu.memory_space<vmem_shared>>) offsets(%dma_start3A_80 : memref<100xi32, #tpu.memory_space<vmem>>) semaphore(%run_scoped3A : memref<!tpu.dma_semaphore, #tpu.memory_space<semaphore_mem>>) {add = true}
            %dma_wait3A_84 = arith.constant 0 : i32
            %dma_wait3A_85 = tpu.memref_slice %arg8[%mul3A_39, %dma_wait3A_84] : memref<40x100xi32, #tpu.memory_space<vmem>> -> memref<1x100xi32, #tpu.memory_space<vmem>>
            %dma_wait3A_86 = tpu.memref_squeeze %dma_wait3A_85 : memref<1x100xi32, #tpu.memory_space<vmem>> -> memref<100xi32, #tpu.memory_space<vmem>>
            %dma_wait3A_87 = arith.constant 0 : i32
            %dma_wait3A_88 = arith.constant 0 : i32
            %dma_wait3A_89 = tpu.memref_slice %arg11[%dma_wait3A_87, %dma_wait3A_88] : memref<10240x128xf32, #tpu.memory_space<vmem_shared>> -> memref<10240x128xf32, #tpu.memory_space<vmem_shared>>
            tpu.wait_indirect_dma semaphore(%run_scoped3A : memref<!tpu.dma_semaphore, #tpu.memory_space<semaphore_mem>>) src(%arg9 : memref<100x128xf32, #tpu.memory_space<vmem>>) dst(%dma_wait3A_89 : memref<10240x128xf32, #tpu.memory_space<vmem_shared>>)
            tpu.yield
          }) : () -> ()
          %lt3A = arith.constant 19 : i32
          %lt3A_60 = arith.cmpi slt, %scan3A_37, %lt3A : i32
          %convert_element_type3A_61 = arith.extui %lt3A_60 : i1 to i32
          %cond3A_62 = arith.constant 0 : i32
          %cond3A_63 = arith.cmpi ne, %convert_element_type3A_61, %cond3A_62 : i32
          scf.if %cond3A_63 {
            %add3A_78 = arith.constant 2 : i32
            %add3A_79 = arith.addi %mul3A_39, %add3A_78 : i32
            %dma_start3A_80 = arith.constant 0 : i32
            %dma_start3A_81 = tpu.memref_slice %arg7[%add3A_79, %dma_start3A_80] : memref<40x100xi32, #tpu.memory_space<vmem>> -> memref<1x100xi32, #tpu.memory_space<vmem>>
            %dma_start3A_82 = tpu.memref_squeeze %dma_start3A_81 : memref<1x100xi32, #tpu.memory_space<vmem>> -> memref<100xi32, #tpu.memory_space<vmem>>
            %dma_start3A_83 = arith.constant 0 : i32
            %dma_start3A_84 = arith.constant 0 : i32
            %dma_start3A_85 = tpu.memref_slice %arg2[%scan3A_11, %dma_start3A_83, %dma_start3A_84] : memref<2x10000x128xf32, #tpu.memory_space<hbm>> -> memref<1x10000x128xf32, #tpu.memory_space<hbm>>
            %dma_start3A_86 = tpu.memref_squeeze %dma_start3A_85 : memref<1x10000x128xf32, #tpu.memory_space<hbm>> -> memref<10000x128xf32, #tpu.memory_space<hbm>>
            %dma_start3A_87 = arith.constant 0 : i32
            %dma_start3A_88 = arith.constant 0 : i32
            %dma_start3A_89 = tpu.memref_slice %dma_start3A_86[%dma_start3A_87, %dma_start3A_88] : memref<10000x128xf32, #tpu.memory_space<hbm>> -> memref<10000x128xf32, #tpu.memory_space<hbm>>
            tpu.enqueue_indirect_dma source(%dma_start3A_89 : memref<10000x128xf32, #tpu.memory_space<hbm>>) target(%arg9 : memref<100x128xf32, #tpu.memory_space<vmem>>) offsets(%dma_start3A_82 : memref<100xi32, #tpu.memory_space<vmem>>) semaphore(%arg12 : memref<!tpu.dma_semaphore, #tpu.memory_space<semaphore_mem>>)
          } else {
          }
          %add3A_64 = arith.constant 1 : i32
          %add3A_65 = arith.addi %mul3A_39, %add3A_64 : i32
          %dma_wait3A_66 = arith.constant 0 : i32
          %dma_wait3A_67 = tpu.memref_slice %arg7[%add3A_65, %dma_wait3A_66] : memref<40x100xi32, #tpu.memory_space<vmem>> -> memref<1x100xi32, #tpu.memory_space<vmem>>
          %dma_wait3A_68 = tpu.memref_squeeze %dma_wait3A_67 : memref<1x100xi32, #tpu.memory_space<vmem>> -> memref<100xi32, #tpu.memory_space<vmem>>
          %dma_wait3A_69 = arith.constant 0 : i32
          %dma_wait3A_70 = arith.constant 0 : i32
          %dma_wait3A_71 = tpu.memref_slice %arg2[%scan3A_11, %dma_wait3A_69, %dma_wait3A_70] : memref<2x10000x128xf32, #tpu.memory_space<hbm>> -> memref<1x10000x128xf32, #tpu.memory_space<hbm>>
          %dma_wait3A_72 = tpu.memref_squeeze %dma_wait3A_71 : memref<1x10000x128xf32, #tpu.memory_space<hbm>> -> memref<10000x128xf32, #tpu.memory_space<hbm>>
          %dma_wait3A_73 = arith.constant 0 : i32
          %dma_wait3A_74 = arith.constant 0 : i32
          %dma_wait3A_75 = tpu.memref_slice %dma_wait3A_72[%dma_wait3A_73, %dma_wait3A_74] : memref<10000x128xf32, #tpu.memory_space<hbm>> -> memref<10000x128xf32, #tpu.memory_space<hbm>>
          tpu.wait_indirect_dma semaphore(%arg13 : memref<!tpu.dma_semaphore, #tpu.memory_space<semaphore_mem>>) src(%dma_wait3A_75 : memref<10000x128xf32, #tpu.memory_space<hbm>>) dst(%arg10 : memref<100x128xf32, #tpu.memory_space<vmem>>)
          %add3A_76 = arith.constant 1 : i32
          %add3A_77 = arith.addi %mul3A_39, %add3A_76 : i32
          "tpu.region"() ({
            %run_scoped3A = tpu.sem_alloc : memref<!tpu.dma_semaphore, #tpu.memory_space<semaphore_mem>>
            %dma_start3A_78 = arith.constant 0 : i32
            %dma_start3A_79 = tpu.memref_slice %arg8[%add3A_77, %dma_start3A_78] : memref<40x100xi32, #tpu.memory_space<vmem>> -> memref<1x100xi32, #tpu.memory_space<vmem>>
            %dma_start3A_80 = tpu.memref_squeeze %dma_start3A_79 : memref<1x100xi32, #tpu.memory_space<vmem>> -> memref<100xi32, #tpu.memory_space<vmem>>
            %dma_start3A_81 = arith.constant 0 : i32
            %dma_start3A_82 = arith.constant 0 : i32
            %dma_start3A_83 = tpu.memref_slice %arg11[%dma_start3A_81, %dma_start3A_82] : memref<10240x128xf32, #tpu.memory_space<vmem_shared>> -> memref<10240x128xf32, #tpu.memory_space<vmem_shared>>
            tpu.enqueue_indirect_dma source(%arg10 : memref<100x128xf32, #tpu.memory_space<vmem>>) target(%dma_start3A_83 : memref<10240x128xf32, #tpu.memory_space<vmem_shared>>) offsets(%dma_start3A_80 : memref<100xi32, #tpu.memory_space<vmem>>) semaphore(%run_scoped3A : memref<!tpu.dma_semaphore, #tpu.memory_space<semaphore_mem>>) {add = true}
            %dma_wait3A_84 = arith.constant 0 : i32
            %dma_wait3A_85 = tpu.memref_slice %arg8[%add3A_77, %dma_wait3A_84] : memref<40x100xi32, #tpu.memory_space<vmem>> -> memref<1x100xi32, #tpu.memory_space<vmem>>
            %dma_wait3A_86 = tpu.memref_squeeze %dma_wait3A_85 : memref<1x100xi32, #tpu.memory_space<vmem>> -> memref<100xi32, #tpu.memory_space<vmem>>
            %dma_wait3A_87 = arith.constant 0 : i32
            %dma_wait3A_88 = arith.constant 0 : i32
            %dma_wait3A_89 = tpu.memref_slice %arg11[%dma_wait3A_87, %dma_wait3A_88] : memref<10240x128xf32, #tpu.memory_space<vmem_shared>> -> memref<10240x128xf32, #tpu.memory_space<vmem_shared>>
            tpu.wait_indirect_dma semaphore(%run_scoped3A : memref<!tpu.dma_semaphore, #tpu.memory_space<semaphore_mem>>) src(%arg10 : memref<100x128xf32, #tpu.memory_space<vmem>>) dst(%dma_wait3A_89 : memref<10240x128xf32, #tpu.memory_space<vmem_shared>>)
            tpu.yield
          }) : () -> ()
        }
        %scan3A_36 = arith.constant 20 : i32
      }
      %scan3A_16 = arith.constant 5 : i32
    } else {
    }
    %barrier3A_8 = arith.constant 0 : index
    tpu.barrier barrier_id(%barrier3A_8)
    %mul3A_9 = arith.constant 640 : i32
    %mul3A_10 = arith.muli %arg1, %mul3A_9 : i32
    "tpu.region"() ({
      %run_scoped3A = tpu.sem_alloc : memref<!tpu.dma_semaphore, #tpu.memory_space<semaphore_mem>>
      %dma_start3A = arith.constant 0 : i32
      %dma_start3A_11 = tpu.memref_slice %arg6[%arg0, %mul3A_10, %dma_start3A] : memref<2x10240x128xf32, #tpu.memory_space<hbm>> -> memref<1x640x128xf32, #tpu.memory_space<hbm>>
      %dma_start3A_12 = tpu.memref_squeeze %dma_start3A_11 : memref<1x640x128xf32, #tpu.memory_space<hbm>> -> memref<640x128xf32, #tpu.memory_space<hbm>>
      %dma_start3A_13 = arith.constant 0 : i32
      %dma_start3A_14 = tpu.memref_slice %arg11[%mul3A_10, %dma_start3A_13] : memref<10240x128xf32, #tpu.memory_space<vmem_shared>> -> memref<640x128xf32, #tpu.memory_space<vmem_shared>>
      tpu.enqueue_dma source(%dma_start3A_14 : memref<640x128xf32, #tpu.memory_space<vmem_shared>>) target(%dma_start3A_12 : memref<640x128xf32, #tpu.memory_space<hbm>>) target_semaphore(%run_scoped3A : memref<!tpu.dma_semaphore, #tpu.memory_space<semaphore_mem>>)
      %dma_wait3A = arith.constant 0 : i32
      %dma_wait3A_15 = tpu.memref_slice %arg6[%arg0, %mul3A_10, %dma_wait3A] : memref<2x10240x128xf32, #tpu.memory_space<hbm>> -> memref<1x640x128xf32, #tpu.memory_space<hbm>>
      %dma_wait3A_16 = tpu.memref_squeeze %dma_wait3A_15 : memref<1x640x128xf32, #tpu.memory_space<hbm>> -> memref<640x128xf32, #tpu.memory_space<hbm>>
      %dma_wait3A_17 = arith.constant 0 : i32
      %dma_wait3A_18 = tpu.memref_slice %arg11[%mul3A_10, %dma_wait3A_17] : memref<10240x128xf32, #tpu.memory_space<vmem_shared>> -> memref<640x128xf32, #tpu.memory_space<vmem_shared>>
      tpu.wait_dma2 semaphore(%run_scoped3A : memref<!tpu.dma_semaphore, #tpu.memory_space<semaphore_mem>>) src(%dma_wait3A_18 : memref<640x128xf32, #tpu.memory_space<vmem_shared>>) dst(%dma_wait3A_16 : memref<640x128xf32, #tpu.memory_space<hbm>>)
      tpu.yield
    }) : () -> ()
    return
  }
}

module attributes {stable_mosaic.version = 14 : i64} {
  func.func @_tc1_body(%arg0: i32, %arg1: memref<2x400x128xf32, #tpu.memory_space<vmem>>, %arg2: memref<2x400x16xf32, #tpu.memory_space<vmem>>, %arg3: memref<400x128xf32, #tpu.memory_space<vmem>>, %arg4: memref<128x256xf32, #tpu.memory_space<vmem>>, %arg5: memref<128x256xf32, #tpu.memory_space<vmem>>, %arg6: memref<1x256xf32, #tpu.memory_space<vmem>>, %arg7: memref<2x400x128xf32, #tpu.memory_space<vmem>>, %arg8: memref<400x1xf32, #tpu.memory_space<vmem>>) attributes {dimension_semantics = [#tpu.dimension_semantics<arbitrary>], iteration_bounds = array<i64: 25>, scalar_prefetch = 0 : i64, scratch_operands = 0 : i64, tpu.core_type = #tpu.core_type<tc>, window_params = [{transform_indices = @transform_0, window_bounds = array<i64: 2, 400, 128>}, {transform_indices = @transform_1, window_bounds = array<i64: 2, 400, 16>}, {transform_indices = @transform_2, window_bounds = array<i64: 400, 128>}, {pipeline_mode = #tpu.pipeline_mode<synchronous>, transform_indices = @transform_3, window_bounds = array<i64: 128, 256>}, {pipeline_mode = #tpu.pipeline_mode<synchronous>, transform_indices = @transform_4, window_bounds = array<i64: 128, 256>}, {pipeline_mode = #tpu.pipeline_mode<synchronous>, transform_indices = @transform_5, window_bounds = array<i64: 1, 256>}, {transform_indices = @transform_6, window_bounds = array<i64: 2, 400, 128>}, {transform_indices = @transform_7, window_bounds = array<i64: 400, 1>}]} {
    %get3A = arith.constant 0 : index
    %get3A_0 = arith.constant 0 : index
    %get3A_1 = arith.constant 0 : index
    %get3A_2 = vector.load %arg1[%get3A, %get3A_0, %get3A_1] : memref<2x400x128xf32, #tpu.memory_space<vmem>>, vector<2x400x128xf32>
    %get3A_3 = arith.constant 0 : index
    %get3A_4 = arith.constant 0 : index
    %get3A_5 = arith.constant 0 : index
    %get3A_6 = vector.load %arg2[%get3A_3, %get3A_4, %get3A_5] : memref<2x400x16xf32, #tpu.memory_space<vmem>>, vector<1x400x1xf32>
    %get3A_7 = vector.shape_cast %get3A_6 : vector<1x400x1xf32> to vector<400x1xf32>
    %get3A_8 = arith.constant 1 : index
    %get3A_9 = arith.constant 0 : index
    %get3A_10 = arith.constant 0 : index
    %get3A_11 = vector.load %arg2[%get3A_8, %get3A_9, %get3A_10] : memref<2x400x16xf32, #tpu.memory_space<vmem>>, vector<1x400x1xf32>
    %get3A_12 = vector.shape_cast %get3A_11 : vector<1x400x1xf32> to vector<400x1xf32>
    %add3A = arith.addf %get3A_7, %get3A_12 : vector<400x1xf32>
    %max3A = arith.constant 1.000000e+00 : f32
    %max3A_13 = vector.broadcast %max3A : f32 to vector<400x1xf32>
    %max3A_14 = arith.maximumf %add3A, %max3A_13 : vector<400x1xf32>
    %div3A = arith.constant 1.000000e+00 : f32
    %div3A_15 = vector.broadcast %div3A : f32 to vector<400x1xf32>
    %div3A_16 = arith.divf %div3A_15, %max3A_14 : vector<400x1xf32>
    %slice3A = vector.extract_strided_slice %get3A_2 {offsets = [0, 0, 0], sizes = [1, 400, 128], strides = [1, 1, 1]} : vector<2x400x128xf32> to vector<1x400x128xf32>
    %squeeze3A = vector.shape_cast %slice3A : vector<1x400x128xf32> to vector<400x128xf32>
    %slice3A_17 = vector.extract_strided_slice %get3A_2 {offsets = [1, 0, 0], sizes = [1, 400, 128], strides = [1, 1, 1]} : vector<2x400x128xf32> to vector<1x400x128xf32>
    %squeeze3A_18 = vector.shape_cast %slice3A_17 : vector<1x400x128xf32> to vector<400x128xf32>
    %add3A_19 = arith.addf %squeeze3A, %squeeze3A_18 : vector<400x128xf32>
    %mul3A = vector.broadcast %div3A_16 : vector<400x1xf32> to vector<400x128xf32>
    %mul3A_20 = arith.mulf %add3A_19, %mul3A : vector<400x128xf32>
    %get3A_21 = arith.constant 0 : index
    %get3A_22 = arith.constant 0 : index
    %get3A_23 = vector.load %arg4[%get3A_21, %get3A_22] : memref<128x256xf32, #tpu.memory_space<vmem>>, vector<128x256xf32>
    %dot_general3A = arith.constant dense<0.000000e+00> : vector<400x256xf32>
    %dot_general3A_24 = tpu.matmul %mul3A_20, %get3A_23, %dot_general3A {dimension_numbers = #tpu.dot_dimension_numbers<[1], [0], [0], [1], [0, 0, 1, 1], [], []>, transpose_lhs_hint = false} : vector<400x128xf32>, vector<128x256xf32>, vector<400x256xf32> -> vector<400x256xf32>
    %get3A_25 = arith.constant 0 : index
    %get3A_26 = arith.constant 0 : index
    %get3A_27 = vector.load %arg3[%get3A_25, %get3A_26] : memref<400x128xf32, #tpu.memory_space<vmem>>, vector<400x128xf32>
    %get3A_28 = arith.constant 0 : index
    %get3A_29 = arith.constant 0 : index
    %get3A_30 = vector.load %arg5[%get3A_28, %get3A_29] : memref<128x256xf32, #tpu.memory_space<vmem>>, vector<128x256xf32>
    %dot_general3A_31 = arith.constant dense<0.000000e+00> : vector<400x256xf32>
    %dot_general3A_32 = tpu.matmul %get3A_27, %get3A_30, %dot_general3A_31 {dimension_numbers = #tpu.dot_dimension_numbers<[1], [0], [0], [1], [0, 0, 1, 1], [], []>, transpose_lhs_hint = false} : vector<400x128xf32>, vector<128x256xf32>, vector<400x256xf32> -> vector<400x256xf32>
    %add3A_33 = arith.addf %dot_general3A_24, %dot_general3A_32 : vector<400x256xf32>
    %get3A_34 = arith.constant 0 : index
    %get3A_35 = arith.constant 0 : index
    %get3A_36 = vector.load %arg6[%get3A_34, %get3A_35] : memref<1x256xf32, #tpu.memory_space<vmem>>, vector<1x256xf32>
    %add3A_37 = vector.broadcast %get3A_36 : vector<1x256xf32> to vector<400x256xf32>
    %add3A_38 = arith.addf %add3A_33, %add3A_37 : vector<400x256xf32>
    %gt3A = arith.constant 0.000000e+00 : f32
    %gt3A_39 = vector.broadcast %gt3A : f32 to vector<400x256xf32>
    %gt3A_40 = arith.cmpf ogt, %add3A_38, %gt3A_39 : vector<400x256xf32>
    %min3A = arith.constant 0.000000e+00 : f32
    %min3A_41 = vector.broadcast %min3A : f32 to vector<400x256xf32>
    %min3A_42 = arith.minimumf %add3A_38, %min3A_41 : vector<400x256xf32>
    %exp3A = math.exp %min3A_42 : vector<400x256xf32>
    %sub3A = arith.constant 1.000000e+00 : f32
    %sub3A_43 = vector.broadcast %sub3A : f32 to vector<400x256xf32>
    %sub3A_44 = arith.subf %exp3A, %sub3A_43 : vector<400x256xf32>
    %select_n3A = arith.select %gt3A_40, %add3A_38, %sub3A_44 : vector<400x256xi1>, vector<400x256xf32>
    %slice3A_45 = vector.extract_strided_slice %select_n3A {offsets = [0, 0], sizes = [400, 128], strides = [1, 1]} : vector<400x256xf32> to vector<400x128xf32>
    %swap3A = arith.constant 0 : index
    %swap3A_46 = arith.constant 0 : index
    %swap3A_47 = arith.constant 0 : index
    %swap3A_48 = vector.load %arg7[%swap3A, %swap3A_46, %swap3A_47] : memref<2x400x128xf32, #tpu.memory_space<vmem>>, vector<1x400x128xf32>
    %swap3A_49 = vector.shape_cast %swap3A_48 : vector<1x400x128xf32> to vector<400x128xf32>
    %swap3A_50 = vector.shape_cast %slice3A_45 : vector<400x128xf32> to vector<1x400x128xf32>
    tpu.vector_store %arg7[%swap3A, %swap3A_46, %swap3A_47], %swap3A_50 {strides = array<i32>} : memref<2x400x128xf32, #tpu.memory_space<vmem>>, vector<1x400x128xf32>,
    %slice3A_51 = vector.extract_strided_slice %select_n3A {offsets = [0, 128], sizes = [400, 128], strides = [1, 1]} : vector<400x256xf32> to vector<400x128xf32>
    %swap3A_52 = arith.constant 1 : index
    %swap3A_53 = arith.constant 0 : index
    %swap3A_54 = arith.constant 0 : index
    %swap3A_55 = vector.load %arg7[%swap3A_52, %swap3A_53, %swap3A_54] : memref<2x400x128xf32, #tpu.memory_space<vmem>>, vector<1x400x128xf32>
    %swap3A_56 = vector.shape_cast %swap3A_55 : vector<1x400x128xf32> to vector<400x128xf32>
    %swap3A_57 = vector.shape_cast %slice3A_51 : vector<400x128xf32> to vector<1x400x128xf32>
    tpu.vector_store %arg7[%swap3A_52, %swap3A_53, %swap3A_54], %swap3A_57 {strides = array<i32>} : memref<2x400x128xf32, #tpu.memory_space<vmem>>, vector<1x400x128xf32>,
    %swap3A_58 = arith.constant 0 : index
    %swap3A_59 = arith.constant 0 : index
    %swap3A_60 = vector.load %arg8[%swap3A_58, %swap3A_59] : memref<400x1xf32, #tpu.memory_space<vmem>>, vector<400x1xf32>
    tpu.vector_store %arg8[%swap3A_58, %swap3A_59], %div3A_16 {strides = array<i32>} : memref<400x1xf32, #tpu.memory_space<vmem>>, vector<400x1xf32>,
    return
  }
  func.func @transform_0(%arg0: i32) -> (i32, i32, i32) {
    %c0_i32 = arith.constant 0 : i32
    %c0_i32_0 = arith.constant 0 : i32
    %c0_i32_1 = arith.constant 0 : i32
    return %c0_i32, %arg0, %c0_i32_0 : i32, i32, i32
  }
  func.func @transform_1(%arg0: i32) -> (i32, i32, i32) {
    %c0_i32 = arith.constant 0 : i32
    %c0_i32_0 = arith.constant 0 : i32
    %c0_i32_1 = arith.constant 0 : i32
    return %c0_i32, %arg0, %c0_i32_0 : i32, i32, i32
  }
  func.func @transform_2(%arg0: i32) -> (i32, i32) {
    %c0_i32 = arith.constant 0 : i32
    %c0_i32_0 = arith.constant 0 : i32
    return %arg0, %c0_i32 : i32, i32
  }
  func.func @transform_3(%arg0: i32) -> (i32, i32) {
    %c0_i32 = arith.constant 0 : i32
    %c0_i32_0 = arith.constant 0 : i32
    %c0_i32_1 = arith.constant 0 : i32
    return %c0_i32, %c0_i32_0 : i32, i32
  }
  func.func @transform_4(%arg0: i32) -> (i32, i32) {
    %c0_i32 = arith.constant 0 : i32
    %c0_i32_0 = arith.constant 0 : i32
    %c0_i32_1 = arith.constant 0 : i32
    return %c0_i32, %c0_i32_0 : i32, i32
  }
  func.func @transform_5(%arg0: i32) -> (i32, i32) {
    %c0_i32 = arith.constant 0 : i32
    %c0_i32_0 = arith.constant 0 : i32
    %c0_i32_1 = arith.constant 0 : i32
    return %c0_i32, %c0_i32_0 : i32, i32
  }
  func.func @transform_6(%arg0: i32) -> (i32, i32, i32) {
    %c0_i32 = arith.constant 0 : i32
    %c0_i32_0 = arith.constant 0 : i32
    %c0_i32_1 = arith.constant 0 : i32
    return %c0_i32, %arg0, %c0_i32_0 : i32, i32, i32
  }
  func.func @transform_7(%arg0: i32) -> (i32, i32) {
    %c0_i32 = arith.constant 0 : i32
    %c0_i32_0 = arith.constant 0 : i32
    return %arg0, %c0_i32 : i32, i32
  }
}

module attributes {stable_mosaic.version = 14 : i64} {
  func.func @_tc2_body(%arg0: i32, %arg1: memref<2x400x128xf32, #tpu.memory_space<vmem>>, %arg2: memref<2x400x128xf32, #tpu.memory_space<vmem>>, %arg3: memref<400x1xf32, #tpu.memory_space<vmem>>, %arg4: memref<256x256xf32, #tpu.memory_space<vmem>>, %arg5: memref<256x256xf32, #tpu.memory_space<vmem>>, %arg6: memref<1x256xf32, #tpu.memory_space<vmem>>, %arg7: memref<256x128xf32, #tpu.memory_space<vmem>>, %arg8: memref<1x128xf32, #tpu.memory_space<vmem>>, %arg9: memref<128x1xf32, #tpu.memory_space<vmem>>, %arg10: memref<1x1xf32, #tpu.memory_space<vmem>>, %arg11: memref<400x1xf32, #tpu.memory_space<vmem>>) attributes {dimension_semantics = [#tpu.dimension_semantics<arbitrary>], iteration_bounds = array<i64: 25>, scalar_prefetch = 0 : i64, scratch_operands = 0 : i64, tpu.core_type = #tpu.core_type<tc>, window_params = [{transform_indices = @transform_0, window_bounds = array<i64: 2, 400, 128>}, {transform_indices = @transform_1, window_bounds = array<i64: 2, 400, 128>}, {transform_indices = @transform_2, window_bounds = array<i64: 400, 1>}, {pipeline_mode = #tpu.pipeline_mode<synchronous>, transform_indices = @transform_3, window_bounds = array<i64: 256, 256>}, {pipeline_mode = #tpu.pipeline_mode<synchronous>, transform_indices = @transform_4, window_bounds = array<i64: 256, 256>}, {pipeline_mode = #tpu.pipeline_mode<synchronous>, transform_indices = @transform_5, window_bounds = array<i64: 1, 256>}, {pipeline_mode = #tpu.pipeline_mode<synchronous>, transform_indices = @transform_6, window_bounds = array<i64: 256, 128>}, {pipeline_mode = #tpu.pipeline_mode<synchronous>, transform_indices = @transform_7, window_bounds = array<i64: 1, 128>}, {pipeline_mode = #tpu.pipeline_mode<synchronous>, transform_indices = @transform_8, window_bounds = array<i64: 128, 1>}, {pipeline_mode = #tpu.pipeline_mode<synchronous>, transform_indices = @transform_9, window_bounds = array<i64: 1, 1>}, {transform_indices = @transform_10, window_bounds = array<i64: 400, 1>}]} {
    %get3A = arith.constant 0 : index
    %get3A_0 = arith.constant 0 : index
    %get3A_1 = vector.load %arg3[%get3A, %get3A_0] : memref<400x1xf32, #tpu.memory_space<vmem>>, vector<400x1xf32>
    %get3A_2 = arith.constant 0 : index
    %get3A_3 = arith.constant 0 : index
    %get3A_4 = arith.constant 0 : index
    %get3A_5 = vector.load %arg1[%get3A_2, %get3A_3, %get3A_4] : memref<2x400x128xf32, #tpu.memory_space<vmem>>, vector<2x400x128xf32>
    %get3A_6 = arith.constant 0 : index
    %get3A_7 = arith.constant 0 : index
    %get3A_8 = arith.constant 0 : index
    %get3A_9 = vector.load %arg2[%get3A_6, %get3A_7, %get3A_8] : memref<2x400x128xf32, #tpu.memory_space<vmem>>, vector<2x400x128xf32>
    %get3A_10 = arith.constant 0 : index
    %get3A_11 = arith.constant 0 : index
    %get3A_12 = vector.load %arg4[%get3A_10, %get3A_11] : memref<256x256xf32, #tpu.memory_space<vmem>>, vector<256x256xf32>
    %get3A_13 = arith.constant 0 : index
    %get3A_14 = arith.constant 0 : index
    %get3A_15 = vector.load %arg5[%get3A_13, %get3A_14] : memref<256x256xf32, #tpu.memory_space<vmem>>, vector<256x256xf32>
    %slice3A = vector.extract_strided_slice %get3A_5 {offsets = [0, 0, 0], sizes = [1, 400, 128], strides = [1, 1, 1]} : vector<2x400x128xf32> to vector<1x400x128xf32>
    %squeeze3A = vector.shape_cast %slice3A : vector<1x400x128xf32> to vector<400x128xf32>
    %mul3A = vector.broadcast %get3A_1 : vector<400x1xf32> to vector<400x128xf32>
    %mul3A_16 = arith.mulf %squeeze3A, %mul3A : vector<400x128xf32>
    %slice3A_17 = vector.extract_strided_slice %get3A_12 {offsets = [0, 0], sizes = [128, 256], strides = [1, 1]} : vector<256x256xf32> to vector<128x256xf32>
    %dot_general3A = arith.constant dense<0.000000e+00> : vector<400x256xf32>
    %dot_general3A_18 = tpu.matmul %mul3A_16, %slice3A_17, %dot_general3A {dimension_numbers = #tpu.dot_dimension_numbers<[1], [0], [0], [1], [0, 0, 1, 1], [], []>, transpose_lhs_hint = false} : vector<400x128xf32>, vector<128x256xf32>, vector<400x256xf32> -> vector<400x256xf32>
    %slice3A_19 = vector.extract_strided_slice %get3A_5 {offsets = [1, 0, 0], sizes = [1, 400, 128], strides = [1, 1, 1]} : vector<2x400x128xf32> to vector<1x400x128xf32>
    %squeeze3A_20 = vector.shape_cast %slice3A_19 : vector<1x400x128xf32> to vector<400x128xf32>
    %mul3A_21 = vector.broadcast %get3A_1 : vector<400x1xf32> to vector<400x128xf32>
    %mul3A_22 = arith.mulf %squeeze3A_20, %mul3A_21 : vector<400x128xf32>
    %slice3A_23 = vector.extract_strided_slice %get3A_12 {offsets = [128, 0], sizes = [128, 256], strides = [1, 1]} : vector<256x256xf32> to vector<128x256xf32>
    %dot_general3A_24 = arith.constant dense<0.000000e+00> : vector<400x256xf32>
    %dot_general3A_25 = tpu.matmul %mul3A_22, %slice3A_23, %dot_general3A_24 {dimension_numbers = #tpu.dot_dimension_numbers<[1], [0], [0], [1], [0, 0, 1, 1], [], []>, transpose_lhs_hint = false} : vector<400x128xf32>, vector<128x256xf32>, vector<400x256xf32> -> vector<400x256xf32>
    %add3A = arith.addf %dot_general3A_18, %dot_general3A_25 : vector<400x256xf32>
    %slice3A_26 = vector.extract_strided_slice %get3A_9 {offsets = [0, 0, 0], sizes = [1, 400, 128], strides = [1, 1, 1]} : vector<2x400x128xf32> to vector<1x400x128xf32>
    %squeeze3A_27 = vector.shape_cast %slice3A_26 : vector<1x400x128xf32> to vector<400x128xf32>
    %slice3A_28 = vector.extract_strided_slice %get3A_15 {offsets = [0, 0], sizes = [128, 256], strides = [1, 1]} : vector<256x256xf32> to vector<128x256xf32>
    %dot_general3A_29 = arith.constant dense<0.000000e+00> : vector<400x256xf32>
    %dot_general3A_30 = tpu.matmul %squeeze3A_27, %slice3A_28, %dot_general3A_29 {dimension_numbers = #tpu.dot_dimension_numbers<[1], [0], [0], [1], [0, 0, 1, 1], [], []>, transpose_lhs_hint = false} : vector<400x128xf32>, vector<128x256xf32>, vector<400x256xf32> -> vector<400x256xf32>
    %add3A_31 = arith.addf %add3A, %dot_general3A_30 : vector<400x256xf32>
    %slice3A_32 = vector.extract_strided_slice %get3A_9 {offsets = [1, 0, 0], sizes = [1, 400, 128], strides = [1, 1, 1]} : vector<2x400x128xf32> to vector<1x400x128xf32>
    %squeeze3A_33 = vector.shape_cast %slice3A_32 : vector<1x400x128xf32> to vector<400x128xf32>
    %slice3A_34 = vector.extract_strided_slice %get3A_15 {offsets = [128, 0], sizes = [128, 256], strides = [1, 1]} : vector<256x256xf32> to vector<128x256xf32>
    %dot_general3A_35 = arith.constant dense<0.000000e+00> : vector<400x256xf32>
    %dot_general3A_36 = tpu.matmul %squeeze3A_33, %slice3A_34, %dot_general3A_35 {dimension_numbers = #tpu.dot_dimension_numbers<[1], [0], [0], [1], [0, 0, 1, 1], [], []>, transpose_lhs_hint = false} : vector<400x128xf32>, vector<128x256xf32>, vector<400x256xf32> -> vector<400x256xf32>
    %add3A_37 = arith.addf %add3A_31, %dot_general3A_36 : vector<400x256xf32>
    %get3A_38 = arith.constant 0 : index
    %get3A_39 = arith.constant 0 : index
    %get3A_40 = vector.load %arg6[%get3A_38, %get3A_39] : memref<1x256xf32, #tpu.memory_space<vmem>>, vector<1x256xf32>
    %add3A_41 = vector.broadcast %get3A_40 : vector<1x256xf32> to vector<400x256xf32>
    %add3A_42 = arith.addf %add3A_37, %add3A_41 : vector<400x256xf32>
    %gt3A = arith.constant 0.000000e+00 : f32
    %gt3A_43 = vector.broadcast %gt3A : f32 to vector<400x256xf32>
    %gt3A_44 = arith.cmpf ogt, %add3A_42, %gt3A_43 : vector<400x256xf32>
    %min3A = arith.constant 0.000000e+00 : f32
    %min3A_45 = vector.broadcast %min3A : f32 to vector<400x256xf32>
    %min3A_46 = arith.minimumf %add3A_42, %min3A_45 : vector<400x256xf32>
    %exp3A = math.exp %min3A_46 : vector<400x256xf32>
    %sub3A = arith.constant 1.000000e+00 : f32
    %sub3A_47 = vector.broadcast %sub3A : f32 to vector<400x256xf32>
    %sub3A_48 = arith.subf %exp3A, %sub3A_47 : vector<400x256xf32>
    %select_n3A = arith.select %gt3A_44, %add3A_42, %sub3A_48 : vector<400x256xi1>, vector<400x256xf32>
    %get3A_49 = arith.constant 0 : index
    %get3A_50 = arith.constant 0 : index
    %get3A_51 = vector.load %arg7[%get3A_49, %get3A_50] : memref<256x128xf32, #tpu.memory_space<vmem>>, vector<256x128xf32>
    %dot_general3A_52 = arith.constant dense<0.000000e+00> : vector<400x128xf32>
    %dot_general3A_53 = tpu.matmul %select_n3A, %get3A_51, %dot_general3A_52 {dimension_numbers = #tpu.dot_dimension_numbers<[1], [0], [0], [1], [0, 0, 1, 1], [], []>, transpose_lhs_hint = false} : vector<400x256xf32>, vector<256x128xf32>, vector<400x128xf32> -> vector<400x128xf32>
    %get3A_54 = arith.constant 0 : index
    %get3A_55 = arith.constant 0 : index
    %get3A_56 = vector.load %arg8[%get3A_54, %get3A_55] : memref<1x128xf32, #tpu.memory_space<vmem>>, vector<1x128xf32>
    %add3A_57 = vector.broadcast %get3A_56 : vector<1x128xf32> to vector<400x128xf32>
    %add3A_58 = arith.addf %dot_general3A_53, %add3A_57 : vector<400x128xf32>
    %max3A = arith.constant 0.000000e+00 : f32
    %max3A_59 = vector.broadcast %max3A : f32 to vector<400x128xf32>
    %max3A_60 = arith.maximumf %add3A_58, %max3A_59 : vector<400x128xf32>
    %get3A_61 = arith.constant 0 : index
    %get3A_62 = arith.constant 0 : index
    %get3A_63 = vector.load %arg9[%get3A_61, %get3A_62] : memref<128x1xf32, #tpu.memory_space<vmem>>, vector<128x1xf32>
    %dot_general3A_64 = arith.constant dense<0.000000e+00> : vector<400x1xf32>
    %dot_general3A_65 = tpu.matmul %max3A_60, %get3A_63, %dot_general3A_64 {dimension_numbers = #tpu.dot_dimension_numbers<[1], [0], [0], [1], [0, 0, 1, 1], [], []>, transpose_lhs_hint = false} : vector<400x128xf32>, vector<128x1xf32>, vector<400x1xf32> -> vector<400x1xf32>
    %get3A_66 = arith.constant 0 : index
    %get3A_67 = arith.constant 0 : index
    %get3A_68 = vector.load %arg10[%get3A_66, %get3A_67] : memref<1x1xf32, #tpu.memory_space<vmem>>, vector<1x1xf32>
    %add3A_69 = vector.broadcast %get3A_68 : vector<1x1xf32> to vector<400x1xf32>
    %add3A_70 = arith.addf %dot_general3A_65, %add3A_69 : vector<400x1xf32>
    %swap3A = arith.constant 0 : index
    %swap3A_71 = arith.constant 0 : index
    %swap3A_72 = vector.load %arg11[%swap3A, %swap3A_71] : memref<400x1xf32, #tpu.memory_space<vmem>>, vector<400x1xf32>
    tpu.vector_store %arg11[%swap3A, %swap3A_71], %add3A_70 {strides = array<i32>} : memref<400x1xf32, #tpu.memory_space<vmem>>, vector<400x1xf32>,
    return
  }
  func.func @transform_0(%arg0: i32) -> (i32, i32, i32) {
    %c0_i32 = arith.constant 0 : i32
    %c0_i32_0 = arith.constant 0 : i32
    %c0_i32_1 = arith.constant 0 : i32
    return %c0_i32, %arg0, %c0_i32_0 : i32, i32, i32
  }
  func.func @transform_1(%arg0: i32) -> (i32, i32, i32) {
    %c0_i32 = arith.constant 0 : i32
    %c0_i32_0 = arith.constant 0 : i32
    %c0_i32_1 = arith.constant 0 : i32
    return %c0_i32, %arg0, %c0_i32_0 : i32, i32, i32
  }
  func.func @transform_2(%arg0: i32) -> (i32, i32) {
    %c0_i32 = arith.constant 0 : i32
    %c0_i32_0 = arith.constant 0 : i32
    return %arg0, %c0_i32 : i32, i32
  }
  func.func @transform_3(%arg0: i32) -> (i32, i32) {
    %c0_i32 = arith.constant 0 : i32
    %c0_i32_0 = arith.constant 0 : i32
    %c0_i32_1 = arith.constant 0 : i32
    return %c0_i32, %c0_i32_0 : i32, i32
  }
  func.func @transform_4(%arg0: i32) -> (i32, i32) {
    %c0_i32 = arith.constant 0 : i32
    %c0_i32_0 = arith.constant 0 : i32
    %c0_i32_1 = arith.constant 0 : i32
    return %c0_i32, %c0_i32_0 : i32, i32
  }
  func.func @transform_5(%arg0: i32) -> (i32, i32) {
    %c0_i32 = arith.constant 0 : i32
    %c0_i32_0 = arith.constant 0 : i32
    %c0_i32_1 = arith.constant 0 : i32
    return %c0_i32, %c0_i32_0 : i32, i32
  }
  func.func @transform_6(%arg0: i32) -> (i32, i32) {
    %c0_i32 = arith.constant 0 : i32
    %c0_i32_0 = arith.constant 0 : i32
    %c0_i32_1 = arith.constant 0 : i32
    return %c0_i32, %c0_i32_0 : i32, i32
  }
  func.func @transform_7(%arg0: i32) -> (i32, i32) {
    %c0_i32 = arith.constant 0 : i32
    %c0_i32_0 = arith.constant 0 : i32
    %c0_i32_1 = arith.constant 0 : i32
    return %c0_i32, %c0_i32_0 : i32, i32
  }
  func.func @transform_8(%arg0: i32) -> (i32, i32) {
    %c0_i32 = arith.constant 0 : i32
    %c0_i32_0 = arith.constant 0 : i32
    %c0_i32_1 = arith.constant 0 : i32
    return %c0_i32, %c0_i32_0 : i32, i32
  }
  func.func @transform_9(%arg0: i32) -> (i32, i32) {
    %c0_i32 = arith.constant 0 : i32
    %c0_i32_0 = arith.constant 0 : i32
    %c0_i32_1 = arith.constant 0 : i32
    return %c0_i32, %c0_i32_0 : i32, i32
  }
  func.func @transform_10(%arg0: i32) -> (i32, i32) {
    %c0_i32 = arith.constant 0 : i32
    %c0_i32_0 = arith.constant 0 : i32
    return %arg0, %c0_i32 : i32, i32
  }
}

</mosaic_0001>

<sc_bundles>
// kernel: kernel.6.cloned.1.call-start
scs
__scs_entry_jumppad:
0x0: {  	(pc) =	sbr.rel $0x88, $3  }
0x1: {  	(tag) =	ssettag $0x0;
	lr =	simm.s32 $0x1  }
0x2: {  	[smem:$0x3F95] =	sst lr;
	_ =	strace $0xD0000000  }
0x3: {  	_ = 	snop  }
0x4: {  	_ = 	snop  }
0x5: {  	_ = 	snop  }
0x6: {  	_ = 	snop  }
0x7: {  	_ = 	snop  }
__scs_overlays_trampoline_lowered:
0x8: {  	[smem:$0x3FA4] =	sst s0  }
0x9: {  	[smem:$0x3FA5] =	sst s1  }
0xa: {  	[smem:$0x3FA6] =	sst s2  }
0xb: {  	[smem:$0x3FA7] =	sst s3  }
0xc: {  	[smem:$0x3FA8] =	sst s4  }
0xd: {  	[smem:$0x3FA9] =	sst s5  }
0xe: {  	[smem:$0x3FAA] =	sst s6  }
0xf: {  	[smem:$0x3FAB] =	sst s7  }
0x10: {  	[smem:$0x3FAC] =	sst s8  }
0x11: {  	[smem:$0x3FAD] =	sst s9;
	s0 =	simm.s32 @!p0 $0x0  }
0x12: {  	s1 =	sld [smem:$0x3F93];
	s0 =	simm.s32 @p0 $0x1  }
0x13: {  	[smem:$0x3FAE] =	sst s0;
	s0 =	simm.s32 @!p1 $0x0  }
0x14: {  	s2 =	sld [smem:$0x3F92];
	s0 =	simm.s32 @p1 $0x1  }
0x15: {  	[smem:$0x3FAF] =	sst s0;
	s0 =	simm.s32 @!p2 $0x0  }
0x16: {  	s3 =	sld [smem:$0x3FDB];
	s0 =	simm.s32 @p2 $0x1  }
0x17: {  	s4 =	simm.s32 $0x1BF5;
	[smem:$0x3FB1] =	sst s0  }
0x18: {  	s0 =	sld [smem:$0x3F94];
	_ =	swait.ge [sflag:s4], $0x0  }
0x19: {  	s7 =	sld [smem:$0x3F95]  }
0x1a: {  	s8 =	sadd.s32 $0xFFFFE003, lr  }
0x1b: {  	s9 =	sadd.s32 $0xFFFFFEF7, lr;
	s5 =	simm.s32 $0xFFFFFFFF;
	p2 =	slt.u32 s8, $0xFFFFF086  }
0x1c: {  	p1 =	slt.u32 s9, $0xF7A;
	s5 =	simm.s32 @!p2 $0x0  }
0x1d: {  	s5 =	simm.s32 @p1 $0x1;
	p0 =	seq.s32 s7, s2  }
0x1e: {  	s7 =	smul.u32 @!p0 $0xF7A, s2;
	p2 =	seq.s32 @!p0 s5, $0x0  }
0x1f: {  	s9 =	smul.u32 $0xF7A, s1;
	s8 =	simm.s32 @!p0 $0x1BF5;
	p2 =	por !p2, p0  }
0x20: {  	[sflag:s8] =	ssyncset.s32 @!p0 $0xFFFFF086;
	s6 =	sadd.s32 @!p0 s3, s7;
	s7 =	simm.s32 @!p0 $0x108  }
0x21: {  	s3 =	sadd.s32 s3, s9;
	s6 =	sadd.s32 @!p0 $0x88, s6;
	s7 =	simm.s32 @p2 $0x1082  }
0x22: {  	[simem:s7], [sflag:s8] =	dma.local @!p0 [hbm:s6], $0xF7A  }
0x23: {  	s9 =	sor.u32 $0xD0000000, s2;
	s6 =	simm.s32 $0x108;
	_ =	swait.ge @!p0 [sflag:s8], $0x0  }
0x24: {  	s3 =	sadd.s32 $0x88, s3;
	s6 =	simm.s32 @!p1 $0x1082;
	[sflag:s4] =	ssyncset.s32 $0xFFFFF086  }
0x25: {  	[simem:s6], [sflag:s4] =	dma.local [hbm:s3], $0xF7A  }
0x26: {  	[smem:$0x3F95] =	sst s1;
	(tag) =	ssettag s2;
	_ =	strace s9  }
0x27: {  	s1 =	sld [smem:$0x3FA5]  }
0x28: {  	s2 =	sld [smem:$0x3FA6]  }
0x29: {  	s4 =	sld [smem:$0x3FA8]  }
0x2a: {  	p0 =	seq.s32 s5, $0x0;
	s5 =	sld [smem:$0x3FA9]  }
0x2b: {  	s6 =	sld [smem:$0x3FAA]  }
0x2c: {  	s7 =	sld [smem:$0x3FAB]  }
0x2d: {  	s3 =	simm.s32 $0x108;
	s8 =	sld [smem:$0x3FAC]  }
0x2e: {  	s3 =	simm.s32 @!p0 $0x1082;
	s9 =	sld [smem:$0x3FAD]  }
0x2f: {  	lr =	sadd.s32 s0, s3;
	s0 =	sld [smem:$0x3FA4]  }
0x30: {  	s3 =	sld [smem:$0x3FA7]  }
0x31: {  	[smem:$0x3FB0] =	sst s10  }
0x32: {  	s10 =	sld [smem:$0x3FAE];
	_ =	sdelay $0x3  }
0x33: {  	p0 =	seq.s32 s10, $0x1;
	s10 =	sld [smem:$0x3FB0];
	_ =	sdelay $0x3  }
0x34: {  	[smem:$0x3FB0] =	sst s10  }
0x35: {  	s10 =	sld [smem:$0x3FAF];
	_ =	sdelay $0x3  }
0x36: {  	p1 =	seq.s32 s10, $0x1;
	s10 =	sld [smem:$0x3FB0];
	_ =	sdelay $0x3  }
0x37: {  	[smem:$0x3FB0] =	sst s10  }
0x38: {  	s10 =	sld [smem:$0x3FB1]  }
0x39: {  	_ = 	snop;
	(pc) =	sbr.ind lr, $3  }
0x3a: {  	_ = 	snop  }
0x3b: {  	_ = 	snop  }
0x3c: {  	p2 =	seq.s32 s10, $0x1;
	s10 =	sld [smem:$0x3FB0]  }
0x3d: {  	_ =	shalt  }
0x3e: {  	_ =	shalt  }
0x3f: {  	_ =	shalt  }
0x40: {  	_ =	shalt  }
0x41: {  	_ =	shalt  }
0x42: {  	_ =	shalt  }
0x43: {  	_ =	shalt  }
0x44: {  	_ =	shalt  }
0x45: {  	_ =	shalt  }
0x46: {  	_ =	shalt  }
0x47: {  	_ =	shalt  }
0x48: {  	_ =	shalt  }
0x49: {  	_ =	shalt  }
0x4a: {  	_ =	shalt  }
0x4b: {  	_ =	shalt  }
0x4c: {  	_ =	shalt  }
0x4d: {  	_ =	shalt  }
0x4e: {  	_ =	shalt  }
0x4f: {  	_ =	shalt  }
0x50: {  	_ =	shalt  }
0x51: {  	_ =	shalt  }
0x52: {  	_ =	shalt  }
0x53: {  	_ =	shalt  }
0x54: {  	_ =	shalt  }
0x55: {  	_ =	shalt  }
0x56: {  	_ =	shalt  }
0x57: {  	_ =	shalt  }
0x58: {  	_ =	shalt  }
0x59: {  	_ =	shalt  }
0x5a: {  	_ =	shalt  }
0x5b: {  	_ =	shalt  }
0x5c: {  	_ =	shalt  }
0x5d: {  	_ =	shalt  }
0x5e: {  	_ =	shalt  }
0x5f: {  	_ =	shalt  }
0x60: {  	_ =	shalt  }
0x61: {  	_ =	shalt  }
0x62: {  	_ =	shalt  }
0x63: {  	_ =	shalt  }
0x64: {  	_ =	shalt  }
0x65: {  	_ =	shalt  }
0x66: {  	_ =	shalt  }
0x67: {  	_ =	shalt  }
0x68: {  	_ =	shalt  }
0x69: {  	_ =	shalt  }
0x6a: {  	_ =	shalt  }
0x6b: {  	_ =	shalt  }
0x6c: {  	_ =	shalt  }
0x6d: {  	_ =	shalt  }
0x6e: {  	_ =	shalt  }
0x6f: {  	_ =	shalt  }
0x70: {  	_ =	shalt  }
0x71: {  	_ =	shalt  }
0x72: {  	_ =	shalt  }
0x73: {  	_ =	shalt  }
0x74: {  	_ =	shalt  }
0x75: {  	_ =	shalt  }
0x76: {  	_ =	shalt  }
0x77: {  	_ =	shalt  }
0x78: {  	_ =	shalt  }
0x79: {  	_ =	shalt  }
0x7a: {  	_ =	shalt  }
0x7b: {  	_ =	shalt  }
0x7c: {  	_ =	shalt  }
0x7d: {  	_ =	shalt  }
0x7e: {  	_ =	shalt  }
0x7f: {  	_ =	shalt  }
0x80: {  	_ =	shalt  }
0x81: {  	_ =	shalt  }
0x82: {  	_ =	shalt  }
0x83: {  	_ =	shalt  }
0x84: {  	_ =	shalt  }
0x85: {  	_ =	shalt  }
0x86: {  	_ =	shalt  }
0x87: {  	_ =	shalt  }
.Lfunc_end0:
.L_simem_size_0:
called_computation_lowered:
.L_overlay_start_0:
0x88: {  	s2 =	sld [smem:$0x3FD9]  }
0x89: {  	s3 =	sld [smem:$0x3FFE];
	_ =	sdelay $0x1  }
0x8a: {  	s1 =	srdreg.scid  }
0x8b: {  	s0 =	sand.u32 $0x1, s1  }
0x8c: {  	s17 =	sshll.u32 s0, $0xA;
	s2 =	sadd.s32 s3, s2  }
0x8d: {  	s2 =	sadd.s32 s2, s17  }
0x8e: {  	[smem:$0x3FBC] =	sst s2  }
0x8f: {  	_ = 	snop  }
0x90: {  	s2 =	sld [smem:$0x3FC9]  }
0x91: {  	s18 =	sld [smem:$0x3FD0];
	(tm) =	ssettm $0x1  }
0x92: {  	s4 =	sld [smem:$0x3FFB];
	_ =	sdelay $0x3  }
0x93: {  	_ =	strace s4  }
0x94: {  	s4 =	sld [smem:$0x3FFC];
	_ =	sdelay $0x3  }
0x95: {  	_ =	strace s4  }
0x96: {  	s4 =	sld [smem:$0x3FFD];
	_ =	sdelay $0x3  }
0x97: {  	_ =	strace s4  }
0x98: {  	_ =	strace $0x8FFFFFFF  }
0x99: {  	s19 =	sld [smem:$0x3FDB];
	_ =	sdelay $0x1  }
0x9a: {  	s5 =	simm.s32 $_scs_section_size  }
0x9b: {  	s6 =	simm.s32 $_size__tile_overlayer_lowered;
	s7 =	simm.s32 $_tile_overlayer_lowered  }
0x9c: {  	s22 =	simm.s32 $0x1BFF;
	s21 =	sshll.u32 s7, $0x1;
	s4 =	sadd.s32 s5, s19  }
0x9d: {  	s8 =	simm.s32 $0x0;
	s20 =	sshll.u32 s6, $0x1;
	s6 =	sadd.s32 s21, s4  }
0x9e: {  	[timem:s8], [sflag:s22] =	dma.local [hbm:s6], s20  }
0x9f: {  	_ =	swait.ge [sflag:s22], s20  }
0xa0: {  	s5 =	ssub.s32 $0x0, s20;
	[sflag:s22] =	ssyncset.done $0x0  }
0xa1: {  	[sflag:s22] =	ssyncadd.s32 s5;
	_ =	sdelay $0x1  }
0xa2: {  	s23 =	simm.s32 $0x1B8B  }
0xa3: {  	_ =	swait.ge [sflag:s23], $0x1  }
0xa4: {  	[sflag:s23] =	ssyncset.done $0x0  }
0xa5: {  	s25 =	simm.s32 $0x1B8E;
	s24 =	sld [smem:$0x3FFE];
	[sflag:s23] =	ssyncadd.s32 $0xFFFFFFFF  }
0xa6: {  	s26 =	simm.s32 $execute0_lowered;
	[smem:$0x3FD2] =	sst s25  }
0xa7: {  	s6 =	sshll.u32 s26, $0x1;
	_ =	strace $0x80000046;
	[dreg:$0x1] =	wrdreg $0xFFFFFFFF  }
0xa8: {  	s28 =	simm.s32 $_size_execute0_lowered;
	s4 =	sadd.s32 s4, s6;
	[dreg:$0x0] =	wrdreg $0x0  }
0xa9: {  	s6 =	sshll.u32 s28, $0x1;
	[dreg:$0x2] =	wrdreg s4  }
0xaa: {  	[dreg:$0x3] =	wrdreg s6  }
0xab: {  	[dreg:$0x4] =	wrdreg $0xC0  }
0xac: {  	_ =	task [dreg:s8], $0x5FFFF  }
0xad: {  	[dreg:$0x1] =	wrdreg $0xFFFFFFFF  }
0xae: {  	[dreg:$0x0] =	wrdreg $0x60  }
0xaf: {  	[dreg:$0x2] =	wrdreg s2  }
0xb0: {  	[dreg:$0x3] =	wrdreg s24  }
0xb1: {  	[dreg:$0x4] =	wrdreg s18  }
0xb2: {  	[dreg:$0x5] =	wrdreg $0x7A800  }
0xb3: {  	[dreg:$0x6] =	wrdreg $0x1BA800  }
0xb4: {  	[dreg:$0x7] =	wrdreg $0x9  }
0xb5: {  	_ =	task.clear_ibuf [dreg:s8], $0x8FFFF;
	_ =	strace $0x90000046  }
0xb6: {  	s29 =	simm.s32 $0x9;
	_ =	strace $0x80000048  }
0xb7: {  	_ =	swait.ge [sflag:s29], $0x1  }
0xb8: {  	[sflag:s29] =	ssyncadd.s32 $0xFFFFFFFF  }
0xb9: {  	_ =	strace $0x90000048  }
0xba: {  	_ =	sfence  }
0xbb: {  	s30 =	sld [smem:$0x0];
	_ =	sdelay $0x2  }
0xbc: {  	s31 =	sshll.u32 s1, $0xD;
	s1 =	sshrl.u32 s1, $0x2  }
0xbd: {  	s3 =	sand.u32 $0x4000, s31;
	s1 =	sadd.s32 s1, s30  }
0xbe: {  	s0 =	sor.u32 s3, s0;
	s1 =	sshll.u32 s1, $0x11  }
0xbf: {  	s0 =	sor.u32 s1, s0  }
0xc0: {  	s0 =	sadd.s32 $0x8F2B, s0  }
0xc1: {  	[sflag:s0] =	ssyncadd.remote.s32 $0x1  }
0xc2: {  	_ =	sfence.sel $0xFFFF  }
0xc3: {  	[dreg:$0x0] =	wrdreg $0xFFFFFFFF;
	(pc) =	sbr.abs _section_cstart, $3  }
0xc4: {  	[dreg:$0x1] =	wrdreg $0xFFFFFFFF  }
0xc5: {  	_ =	task.clear_ibuf [dreg:s8], $0x2FFFF;
	_ =	strace $0x9FFFFFFF  }
0xc6: {  	(tm) =	ssettm $0x7FFFFFFF  }
0xc7: {  	_ =	shalt  }
tec
execute0_lowered:
.L_overlay_start_1:
0x0: {  	(tag) =	ssettag $0x1  }
0x1: {  	s0 =	rddreg [dreg:$0x0]  }
0x2: {  	s1 =	rddreg [dreg:$0x1]  }
0x3: {  	s4 =	rddreg [dreg:$0x3];
	s3 =	srdreg.scid  }
0x4: {  	s2 =	stileid.u32;
	s5 =	rddreg [dreg:$0x4];
	s6 =	simm.s32 $0x0  }
0x5: {  	s19 =	simm.s32 $0x7440;
	s20 =	simm.s32 $0x820;
	s21 =	simm.s32 $0x64  }
0x6: {  	s22 =	simm.s32 $0x1040;
	s23 =	simm.s32 $0x4240;
	s24 =	simm.s32 $0x1  }
0x7: {  	s28 =	simm.s32 $0xF70;
	s29 =	simm.s32 $0xFD8;
	s11 =	smul.u32 $0x14000, s2  }
0x8: {  	s30 =	simm.s32 $0x0;
	s3 =	sand.u32 $0x1, s3;
	s12 =	smul.u32 $0x2800, s2  }
0x9: {  	[smem:$0x7FF] =	sst s6;
	s7 =	sadd.s32 $0xC600, s1;
	s16 =	smul.u32 $0x28A0, s2  }
0xa: {  	s8 =	sadd.s32 $0x2200, s1;
	s25 =	sadd.s32 $0x16C00, s1;
	s10 =	smul.u32 $0x140000, s3  }
0xb: {  	s31 =	sshll.u32 s2, $0x6;
	_ =	strace $0x80000047;
	s13 =	smul.u32 $0x28000, s3  }
0xc: {  	[dreg:$0x6] =	wrdreg s25;
	s15 =	ssub.s32 $0x2, s3;
	s3 =	smul.u32 $0x28A00, s3  }
0xd: {  	s25 =	simm.s32 $0x2;
	s26 =	sshrl.u32 s15, $0x1;
	s17 =	sadd.s32 s11, s4  }
0xe: {  	s18 =	sadd.s32 s12, s5;
	s14 =	sadd.s32 s11, s10;
	s10 =	sadd.s32 $0x16A00, s1  }
0xf: {  	s13 =	sadd.s32 s12, s13;
	s15 =	ssub.s32 s15, s26;
	s11 =	sor.u32 $0x1C03, s31  }
0x10: {  	s12 =	sadd.s32 s16, s3;
	s16 =	sshrl.u32 s17, $0x3;
	s17 =	simm.s32 $0x3  }
0x11: {  	s18 =	sshrl.u32 s18, $0x3;
	s14 =	sshrl.u32 s14, $0x3;
	s13 =	sshrl.u32 s13, $0x3  }
0x12: {  	s26 =	simm.s32 $0x7B8;
	s14 =	sadd.s32 s14, s1;
	s1 =	sadd.s32 s13, s1  }
0x13: {  	s15 =	smax.u32 s15, $0x1;
	s13 =	sadd.s32 $0x23400, s14;
	s14 =	sadd.s32 $0x19400, s1  }
.LBB2_1:
0x14: {  	s1 =	rddreg [dreg:$0x6]  }
0x15: {  	[spmem:s16], [sflag:s11] =	dma.local [hbm:s1], $0x2800  }
0x16: {  	_ =	swait.ge [sflag:s17], $0x2800  }
0x17: {  	[sflag:s17] =	ssyncset.done $0x0  }
0x18: {  	[sflag:s17] =	ssyncadd.s32 $0xFFFFD800  }
0x19: {  	s6 =	rddreg [dreg:$0x2]  }
0x1a: {  	[spmem:s18], [sflag:s11] =	dma.local [hbm:s6], $0x500  }
0x1b: {  	_ =	swait.ge [sflag:s17], $0x500  }
0x1c: {  	[sflag:s17] =	ssyncset.done $0x0  }
0x1d: {  	s9 =	simm.s32 $0x0;
	[sflag:s17] =	ssyncadd.s32 $0xFFFFFB00  }
0x1e: {  	[tilespmem:s19], [sflag:$0x3] =	stream.linear.gather [hbm4b:s10+s9], $0x640, $0x38;
	[tilespmem:$0x1E280] =	vst v63  }
0x1f: {  	_ =	swait.ge [sflag:s17], $0x640  }
0x20: {  	[sflag:s17] =	ssyncset.done $0x0  }
0x21: {  	[sflag:s17] =	ssyncadd.s32 $0xFFFFF9C0  }
0x22: {  	s31 =	simm.s32 $0x0;
	[bflag:$0x0] =	sbarrier.arrive $0xFFFF  }
.LBB2_2:
0x23: {  	s1 =	smul.u32 $0x820, s31;
	_ =	sdelay $0x1  }
0x24: {  	s1 =	sadd.s32 s1, s12  }
0x25: {  	s1 =	sshrl.u32 s1, $0x3  }
0x26: {  	s2 =	simm.s32 $0x0;
	s3 =	sadd.s32 s7, s1  }
0x27: {  	[tilespmem:s2], [sflag:$0x3] =	stream.linear.gather [hbm4b:s3+s2], $0x820, $0x38;
	[tilespmem:$0x1E280] =	vst v63  }
0x28: {  	_ =	swait.ge [sflag:s17], $0x820  }
0x29: {  	[sflag:s17] =	ssyncset.done $0x0  }
0x2a: {  	s1 =	sadd.s32 s8, s1;
	[sflag:s17] =	ssyncadd.s32 $0xFFFFF7E0  }
0x2b: {  	[tilespmem:s20], [sflag:$0x3] =	stream.linear.gather [hbm4b:s1+s2], $0x820, $0x38;
	[tilespmem:$0x1E280] =	vst v63  }
0x2c: {  	_ =	swait.ge [sflag:s17], $0x820  }
0x2d: {  	[sflag:s17] =	ssyncset.done $0x0  }
0x2e: {  	[sflag:s17] =	ssyncadd.s32 $0xFFFFF7E0  }
0x2f: {  	[tilespmem:s22], [sflag:$0x1] =	stream.indirect.gather [hbm4b:s0+s21], $0x80, s2, s21, $0xb8;
	[tilespmem:$0x1E280] =	vst v63  }
0x30: {  	s2 =	simm.s32 $0x68  }
0x31: {  	[tilespmem:s23], [sflag:$0x2] =	stream.indirect.gather [hbm4b:s0+s21], $0x80, s2, s21, $0xb8;
	[tilespmem:$0x1E280] =	vst v63  }
0x32: {  	_ =	swait.ge [sflag:s24], $0x3200  }
0x33: {  	[sflag:s24] =	ssyncset.done $0x0  }
0x34: {  	s3 =	simm.s32 $0x820;
	[sflag:s24] =	ssyncadd.s32 $0xFFFFCE00  }
0x35: {  	[spmem:s4] =	stream.indirect.scatter.add.f32 [tilespmem:s22], [sflag:$0x3], $0x80, s3, s21, $0xb8;
	[tilespmem:$0x1E280] =	vst v63  }
0x36: {  	_ =	swait.ge [sflag:s17], $0x3200  }
0x37: {  	[sflag:s17] =	ssyncset.done $0x0  }
0x38: {  	[sflag:s17] =	ssyncadd.s32 $0xFFFFCE00  }
0x39: {  	[spmem:s5] =	stream.indirect.scatter.add.f32 [tilespmem:s19], [sflag:$0x3], $0x10, s3, s21, $0xb8;
	[tilespmem:$0x1E280] =	vst v63  }
0x3a: {  	_ =	swait.ge [sflag:s17], $0x640  }
0x3b: {  	[sflag:s17] =	ssyncset.done $0x0  }
0x3c: {  	s6 =	simm.s32 $0xD0;
	[sflag:s17] =	ssyncadd.s32 $0xFFFFF9C0  }
0x3d: {  	[tilespmem:s22], [sflag:$0x1] =	stream.indirect.gather [hbm4b:s0+s21], $0x80, s6, s21, $0xb8;
	[tilespmem:$0x1E280] =	vst v63  }
0x3e: {  	_ =	swait.ge [sflag:s25], $0x3200  }
0x3f: {  	[sflag:s25] =	ssyncset.done $0x0  }
0x40: {  	s9 =	simm.s32 $0x888;
	[sflag:s25] =	ssyncadd.s32 $0xFFFFCE00  }
0x41: {  	[spmem:s4] =	stream.indirect.scatter.add.f32 [tilespmem:s23], [sflag:$0x3], $0x80, s9, s21, $0xb8;
	[tilespmem:$0x1E280] =	vst v63  }
0x42: {  	_ =	swait.ge [sflag:s17], $0x3200  }
0x43: {  	[sflag:s17] =	ssyncset.done $0x0  }
0x44: {  	[sflag:s17] =	ssyncadd.s32 $0xFFFFCE00  }
0x45: {  	[spmem:s5] =	stream.indirect.scatter.add.f32 [tilespmem:s19], [sflag:$0x3], $0x10, s9, s21, $0xb8;
	[tilespmem:$0x1E280] =	vst v63  }
0x46: {  	_ =	swait.ge [sflag:s17], $0x640  }
0x47: {  	s1 =	simm.s32 $0x680;
	s3 =	simm.s32 $0xD0;
	[sflag:s17] =	ssyncset.done $0x0  }
.LBB2_3:
0x48: {  	s2 =	sadd.s32 $0x68, s3  }
0x49: {  	[sflag:s17] =	ssyncadd.s32 $0xFFFFF9C0;
	s6 =	smov.u32 s1;
	s9 =	sadd.s32 $0x340, s1  }
0x4a: {  	[tilespmem:s23], [sflag:$0x2] =	stream.indirect.gather [hbm4b:s0+s21], $0x80, s2, s21, $0xb8;
	[tilespmem:$0x1E280] =	vst v63  }
0x4b: {  	p0 =	sne.s32 s1, $0x1A00;
	_ =	swait.ge [sflag:s24], $0x3200  }
0x4c: {  	[sflag:s24] =	ssyncset.done $0x0  }
0x4d: {  	s1 =	sadd.s32 $0x820, s3;
	[sflag:s24] =	ssyncadd.s32 $0xFFFFCE00  }
0x4e: {  	[spmem:s4] =	stream.indirect.scatter.add.f32 [tilespmem:s22], [sflag:$0x3], $0x80, s1, s21, $0xb8;
	[tilespmem:$0x1E280] =	vst v63  }
0x4f: {  	_ =	swait.ge [sflag:s17], $0x3200  }
0x50: {  	[sflag:s17] =	ssyncset.done $0x0  }
0x51: {  	[sflag:s17] =	ssyncadd.s32 $0xFFFFCE00  }
0x52: {  	[spmem:s5] =	stream.indirect.scatter.add.f32 [tilespmem:s19], [sflag:$0x3], $0x10, s1, s21, $0xb8;
	[tilespmem:$0x1E280] =	vst v63  }
0x53: {  	_ =	swait.ge [sflag:s17], $0x640  }
0x54: {  	[sflag:s17] =	ssyncset.done $0x0  }
0x55: {  	s1 =	sadd.s32 $0xD0, s3;
	[sflag:s17] =	ssyncadd.s32 $0xFFFFF9C0  }
0x56: {  	[tilespmem:s22], [sflag:$0x1] =	stream.indirect.gather [hbm4b:s0+s21], $0x80, s1, s21, $0xb8;
	[tilespmem:$0x1E280] =	vst v63  }
0x57: {  	_ =	swait.ge [sflag:s25], $0x3200  }
0x58: {  	[sflag:s25] =	ssyncset.done $0x0  }
0x59: {  	s1 =	sadd.s32 $0x888, s3;
	[sflag:s25] =	ssyncadd.s32 $0xFFFFCE00  }
0x5a: {  	[spmem:s4] =	stream.indirect.scatter.add.f32 [tilespmem:s23], [sflag:$0x3], $0x80, s1, s21, $0xb8;
	[tilespmem:$0x1E280] =	vst v63  }
0x5b: {  	_ =	swait.ge [sflag:s17], $0x3200  }
.Ltmp0:
0x5c: {  	[sflag:s17] =	ssyncset.done $0x0;
	(pc) =	sbr.rel @p0 .LBB2_3-.Ltmp0, $4  }
0x5d: {  	[sflag:s17] =	ssyncadd.s32 $0xFFFFCE00  }
0x5e: {  	[spmem:s5] =	stream.indirect.scatter.add.f32 [tilespmem:s19], [sflag:$0x3], $0x10, s1, s21, $0xb8;
	[tilespmem:$0x1E280] =	vst v63  }
0x5f: {  	_ =	swait.ge [sflag:s17], $0x640  }
0x60: {  	s3 =	sshra.s32 s6, $0x2;
	s1 =	smov.u32 s9;
	[sflag:s17] =	ssyncset.done $0x0  }
0x61: {  	s1 =	sadd.s32 $0x68, s3;
	[sflag:s17] =	ssyncadd.s32 $0xFFFFF9C0  }
0x62: {  	[tilespmem:s23], [sflag:$0x2] =	stream.indirect.gather [hbm4b:s0+s21], $0x80, s1, s21, $0xb8;
	[tilespmem:$0x1E280] =	vst v63  }
0x63: {  	_ =	swait.ge [sflag:s24], $0x3200  }
0x64: {  	[sflag:s24] =	ssyncset.done $0x0  }
0x65: {  	s2 =	sadd.s32 $0x820, s3;
	[sflag:s24] =	ssyncadd.s32 $0xFFFFCE00  }
0x66: {  	[spmem:s4] =	stream.indirect.scatter.add.f32 [tilespmem:s22], [sflag:$0x3], $0x80, s2, s21, $0xb8;
	[tilespmem:$0x1E280] =	vst v63  }
0x67: {  	_ =	swait.ge [sflag:s17], $0x3200  }
0x68: {  	[sflag:s17] =	ssyncset.done $0x0  }
0x69: {  	[sflag:s17] =	ssyncadd.s32 $0xFFFFCE00  }
0x6a: {  	[spmem:s5] =	stream.indirect.scatter.add.f32 [tilespmem:s19], [sflag:$0x3], $0x10, s2, s21, $0xb8;
	[tilespmem:$0x1E280] =	vst v63  }
0x6b: {  	_ =	swait.ge [sflag:s17], $0x640  }
0x6c: {  	[sflag:s17] =	ssyncset.done $0x0  }
0x6d: {  	s6 =	sadd.s32 $0xD0, s3;
	[sflag:s17] =	ssyncadd.s32 $0xFFFFF9C0  }
0x6e: {  	[tilespmem:s22], [sflag:$0x1] =	stream.indirect.gather [hbm4b:s0+s21], $0x80, s6, s21, $0xb8;
	[tilespmem:$0x1E280] =	vst v63  }
0x6f: {  	_ =	swait.ge [sflag:s25], $0x3200  }
0x70: {  	[sflag:s25] =	ssyncset.done $0x0  }
0x71: {  	s9 =	sadd.s32 $0x888, s3;
	[sflag:s25] =	ssyncadd.s32 $0xFFFFCE00  }
0x72: {  	[spmem:s4] =	stream.indirect.scatter.add.f32 [tilespmem:s23], [sflag:$0x3], $0x80, s9, s21, $0xb8;
	[tilespmem:$0x1E280] =	vst v63  }
0x73: {  	_ =	swait.ge [sflag:s17], $0x3200  }
0x74: {  	[sflag:s17] =	ssyncset.done $0x0  }
0x75: {  	[sflag:s17] =	ssyncadd.s32 $0xFFFFCE00  }
0x76: {  	[spmem:s5] =	stream.indirect.scatter.add.f32 [tilespmem:s19], [sflag:$0x3], $0x10, s9, s21, $0xb8;
	[tilespmem:$0x1E280] =	vst v63  }
0x77: {  	_ =	swait.ge [sflag:s17], $0x640  }
0x78: {  	[sflag:s17] =	ssyncset.done $0x0  }
0x79: {  	[sflag:s17] =	ssyncadd.s32 $0xFFFFF9C0  }
0x7a: {  	[tilespmem:s23], [sflag:$0x2] =	stream.indirect.gather [hbm4b:s0+s21], $0x80, s26, s21, $0xb8;
	[tilespmem:$0x1E280] =	vst v63  }
0x7b: {  	_ =	swait.ge [sflag:s24], $0x3200  }
0x7c: {  	[sflag:s24] =	ssyncset.done $0x0  }
0x7d: {  	[sflag:s24] =	ssyncadd.s32 $0xFFFFCE00  }
0x7e: {  	[spmem:s4] =	stream.indirect.scatter.add.f32 [tilespmem:s22], [sflag:$0x3], $0x80, s28, s21, $0xb8;
	[tilespmem:$0x1E280] =	vst v63  }
0x7f: {  	_ =	swait.ge [sflag:s17], $0x3200  }
0x80: {  	[sflag:s17] =	ssyncset.done $0x0  }
0x81: {  	[sflag:s17] =	ssyncadd.s32 $0xFFFFCE00  }
0x82: {  	[spmem:s5] =	stream.indirect.scatter.add.f32 [tilespmem:s19], [sflag:$0x3], $0x10, s28, s21, $0xb8;
	[tilespmem:$0x1E280] =	vst v63  }
0x83: {  	_ =	swait.ge [sflag:s17], $0x640  }
0x84: {  	[sflag:s17] =	ssyncset.done $0x0  }
0x85: {  	[sflag:s17] =	ssyncadd.s32 $0xFFFFF9C0  }
0x86: {  	_ =	swait.ge [sflag:s25], $0x3200  }
0x87: {  	[sflag:s25] =	ssyncset.done $0x0  }
0x88: {  	[sflag:s25] =	ssyncadd.s32 $0xFFFFCE00  }
0x89: {  	[spmem:s4] =	stream.indirect.scatter.add.f32 [tilespmem:s23], [sflag:$0x3], $0x80, s29, s21, $0xb8;
	[tilespmem:$0x1E280] =	vst v63  }
0x8a: {  	s31 =	sadd.s32 $0x1, s31;
	_ =	swait.ge [sflag:s17], $0x3200  }
0x8b: {  	p0 =	sne.s32 s31, $0x5;
	[sflag:s17] =	ssyncset.done $0x0  }
.Ltmp1:
0x8c: {  	[sflag:s17] =	ssyncadd.s32 $0xFFFFCE00;
	(pc) =	sbr.rel @p0 .LBB2_2-.Ltmp1, $4  }
0x8d: {  	[spmem:s5] =	stream.indirect.scatter.add.f32 [tilespmem:s19], [sflag:$0x3], $0x10, s29, s21, $0xb8;
	[tilespmem:$0x1E280] =	vst v63  }
0x8e: {  	_ =	swait.ge [sflag:s17], $0x640  }
0x8f: {  	[sflag:s17] =	ssyncset.done $0x0  }
0x90: {  	[sflag:s17] =	ssyncadd.s32 $0xFFFFF9C0  }
0x91: {  	[bflag:$0x0] =	sbarrier.arrive $0xFFFF  }
0x92: {  	[hbm:s13], [sflag:s11] =	dma.local [spmem:s16], $0x2800  }
0x93: {  	s30 =	sadd.s32 $0x1, s30;
	_ =	swait.ge [sflag:s17], $0x2800  }
0x94: {  	p0 =	sne.s32 s30, s15;
	[sflag:s17] =	ssyncset.done $0x0  }
.Ltmp2:
0x95: {  	[sflag:s17] =	ssyncadd.s32 $0xFFFFD800;
	(pc) =	sbr.rel @p0 .LBB2_1-.Ltmp2, $4  }
0x96: {  	[hbm:s14], [sflag:s11] =	dma.local [spmem:s18], $0x500  }
0x97: {  	_ =	swait.ge [sflag:s17], $0x500  }
0x98: {  	[sflag:s17] =	ssyncset.done $0x0  }
0x99: {  	[sflag:s17] =	ssyncadd.s32 $0xFFFFFB00  }
0x9a: {  	_ =	sfence.sel $0x180000  }
0x9b: {  	[bflag:$0x0] =	sbarrier.arrive $0xFFFF  }
0x9c: {  	_ =	strace $0x90000047  }
0x9d: {  	s0 =	stileid.u32;
	[bflag:$0x2] =	sbarrier.arrive $0xFFFF  }
0x9e: {  	p0 =	sne.s32 s0, $0x0;
	s0 =	rddreg [dreg:$0x5]  }
0x9f: {  	s0 =	sadd.s32 @!p0 $0x100000, s0  }
0xa0: {  	[sflag:s0] =	ssyncadd.tile.s32 @!p0 $0x1;
	_ =	shalt  }
.Lfunc_end2:
_tile_overlayer_lowered:
.L_overlay_start_2:
0xa1: {  	(tag) =	ssettag $0x2  }
0xa2: {  	s0 =	rddreg [dreg:$0x0];
	s2 =	stileid.u32  }
0xa3: {  	s1 =	rddreg [dreg:$0x1];
	p0 =	sne.s32 s2, $0x0  }
0xa4: {  	s3 =	rddreg [dreg:$0x2];
	[bflag:$0x3] =	sbarrier.arrive $0xFFFF;
	s2 =	simm.s32 @!p0 $0x1C03  }
0xa5: {  	[timem:s3], [sflag:s2] =	dma.local @!p0 [hbm:s0], s1  }
0xa6: {  	s0 =	simm.s32 @!p0 $0x3  }
0xa7: {  	_ =	swait.ge @!p0 [sflag:s0], s1  }
0xa8: {  	s1 =	ssub.s32 @!p0 $0x0, s1;
	[sflag:s0] =	ssyncset.done @!p0 $0x0  }
0xa9: {  	[sflag:s0] =	ssyncadd.s32 @!p0 s1  }
0xaa: {  	[bflag:$0x3] =	sbarrier.arrive $0xFFFF  }
0xab: {  	_ =	shalt  }

// kernel: kernel.9.cloned.1.call-start
scs
__scs_entry_jumppad:
0x0: {  	(pc) =	sbr.rel $0x88, $3  }
0x1: {  	(tag) =	ssettag $0x0;
	lr =	simm.s32 $0x1  }
0x2: {  	[smem:$0x3F95] =	sst lr;
	_ =	strace $0xD0000000  }
0x3: {  	_ = 	snop  }
0x4: {  	_ = 	snop  }
0x5: {  	_ = 	snop  }
0x6: {  	_ = 	snop  }
0x7: {  	_ = 	snop  }
__scs_overlays_trampoline_lowered:
0x8: {  	[smem:$0x3FA4] =	sst s0  }
0x9: {  	[smem:$0x3FA5] =	sst s1  }
0xa: {  	[smem:$0x3FA6] =	sst s2  }
0xb: {  	[smem:$0x3FA7] =	sst s3  }
0xc: {  	[smem:$0x3FA8] =	sst s4  }
0xd: {  	[smem:$0x3FA9] =	sst s5  }
0xe: {  	[smem:$0x3FAA] =	sst s6  }
0xf: {  	[smem:$0x3FAB] =	sst s7  }
0x10: {  	[smem:$0x3FAC] =	sst s8  }
0x11: {  	[smem:$0x3FAD] =	sst s9;
	s0 =	simm.s32 @!p0 $0x0  }
0x12: {  	s1 =	sld [smem:$0x3F93];
	s0 =	simm.s32 @p0 $0x1  }
0x13: {  	[smem:$0x3FAE] =	sst s0;
	s0 =	simm.s32 @!p1 $0x0  }
0x14: {  	s2 =	sld [smem:$0x3F92];
	s0 =	simm.s32 @p1 $0x1  }
0x15: {  	[smem:$0x3FAF] =	sst s0;
	s0 =	simm.s32 @!p2 $0x0  }
0x16: {  	s3 =	sld [smem:$0x3FDB];
	s0 =	simm.s32 @p2 $0x1  }
0x17: {  	s4 =	simm.s32 $0x1BF5;
	[smem:$0x3FB1] =	sst s0  }
0x18: {  	s0 =	sld [smem:$0x3F94];
	_ =	swait.ge [sflag:s4], $0x0  }
0x19: {  	s7 =	sld [smem:$0x3F95]  }
0x1a: {  	s8 =	sadd.s32 $0xFFFFE003, lr  }
0x1b: {  	s9 =	sadd.s32 $0xFFFFFEF7, lr;
	s5 =	simm.s32 $0xFFFFFFFF;
	p2 =	slt.u32 s8, $0xFFFFF086  }
0x1c: {  	p1 =	slt.u32 s9, $0xF7A;
	s5 =	simm.s32 @!p2 $0x0  }
0x1d: {  	s5 =	simm.s32 @p1 $0x1;
	p0 =	seq.s32 s7, s2  }
0x1e: {  	s7 =	smul.u32 @!p0 $0xF7A, s2;
	p2 =	seq.s32 @!p0 s5, $0x0  }
0x1f: {  	s9 =	smul.u32 $0xF7A, s1;
	s8 =	simm.s32 @!p0 $0x1BF5;
	p2 =	por !p2, p0  }
0x20: {  	[sflag:s8] =	ssyncset.s32 @!p0 $0xFFFFF086;
	s6 =	sadd.s32 @!p0 s3, s7;
	s7 =	simm.s32 @!p0 $0x108  }
0x21: {  	s3 =	sadd.s32 s3, s9;
	s6 =	sadd.s32 @!p0 $0x88, s6;
	s7 =	simm.s32 @p2 $0x1082  }
0x22: {  	[simem:s7], [sflag:s8] =	dma.local @!p0 [hbm:s6], $0xF7A  }
0x23: {  	s9 =	sor.u32 $0xD0000000, s2;
	s6 =	simm.s32 $0x108;
	_ =	swait.ge @!p0 [sflag:s8], $0x0  }
0x24: {  	s3 =	sadd.s32 $0x88, s3;
	s6 =	simm.s32 @!p1 $0x1082;
	[sflag:s4] =	ssyncset.s32 $0xFFFFF086  }
0x25: {  	[simem:s6], [sflag:s4] =	dma.local [hbm:s3], $0xF7A  }
0x26: {  	[smem:$0x3F95] =	sst s1;
	(tag) =	ssettag s2;
	_ =	strace s9  }
0x27: {  	s1 =	sld [smem:$0x3FA5]  }
0x28: {  	s2 =	sld [smem:$0x3FA6]  }
0x29: {  	s4 =	sld [smem:$0x3FA8]  }
0x2a: {  	p0 =	seq.s32 s5, $0x0;
	s5 =	sld [smem:$0x3FA9]  }
0x2b: {  	s6 =	sld [smem:$0x3FAA]  }
0x2c: {  	s7 =	sld [smem:$0x3FAB]  }
0x2d: {  	s3 =	simm.s32 $0x108;
	s8 =	sld [smem:$0x3FAC]  }
0x2e: {  	s3 =	simm.s32 @!p0 $0x1082;
	s9 =	sld [smem:$0x3FAD]  }
0x2f: {  	lr =	sadd.s32 s0, s3;
	s0 =	sld [smem:$0x3FA4]  }
0x30: {  	s3 =	sld [smem:$0x3FA7]  }
0x31: {  	[smem:$0x3FB0] =	sst s10  }
0x32: {  	s10 =	sld [smem:$0x3FAE];
	_ =	sdelay $0x3  }
0x33: {  	p0 =	seq.s32 s10, $0x1;
	s10 =	sld [smem:$0x3FB0];
	_ =	sdelay $0x3  }
0x34: {  	[smem:$0x3FB0] =	sst s10  }
0x35: {  	s10 =	sld [smem:$0x3FAF];
	_ =	sdelay $0x3  }
0x36: {  	p1 =	seq.s32 s10, $0x1;
	s10 =	sld [smem:$0x3FB0];
	_ =	sdelay $0x3  }
0x37: {  	[smem:$0x3FB0] =	sst s10  }
0x38: {  	s10 =	sld [smem:$0x3FB1]  }
0x39: {  	_ = 	snop;
	(pc) =	sbr.ind lr, $3  }
0x3a: {  	_ = 	snop  }
0x3b: {  	_ = 	snop  }
0x3c: {  	p2 =	seq.s32 s10, $0x1;
	s10 =	sld [smem:$0x3FB0]  }
0x3d: {  	_ =	shalt  }
0x3e: {  	_ =	shalt  }
0x3f: {  	_ =	shalt  }
0x40: {  	_ =	shalt  }
0x41: {  	_ =	shalt  }
0x42: {  	_ =	shalt  }
0x43: {  	_ =	shalt  }
0x44: {  	_ =	shalt  }
0x45: {  	_ =	shalt  }
0x46: {  	_ =	shalt  }
0x47: {  	_ =	shalt  }
0x48: {  	_ =	shalt  }
0x49: {  	_ =	shalt  }
0x4a: {  	_ =	shalt  }
0x4b: {  	_ =	shalt  }
0x4c: {  	_ =	shalt  }
0x4d: {  	_ =	shalt  }
0x4e: {  	_ =	shalt  }
0x4f: {  	_ =	shalt  }
0x50: {  	_ =	shalt  }
0x51: {  	_ =	shalt  }
0x52: {  	_ =	shalt  }
0x53: {  	_ =	shalt  }
0x54: {  	_ =	shalt  }
0x55: {  	_ =	shalt  }
0x56: {  	_ =	shalt  }
0x57: {  	_ =	shalt  }
0x58: {  	_ =	shalt  }
0x59: {  	_ =	shalt  }
0x5a: {  	_ =	shalt  }
0x5b: {  	_ =	shalt  }
0x5c: {  	_ =	shalt  }
0x5d: {  	_ =	shalt  }
0x5e: {  	_ =	shalt  }
0x5f: {  	_ =	shalt  }
0x60: {  	_ =	shalt  }
0x61: {  	_ =	shalt  }
0x62: {  	_ =	shalt  }
0x63: {  	_ =	shalt  }
0x64: {  	_ =	shalt  }
0x65: {  	_ =	shalt  }
0x66: {  	_ =	shalt  }
0x67: {  	_ =	shalt  }
0x68: {  	_ =	shalt  }
0x69: {  	_ =	shalt  }
0x6a: {  	_ =	shalt  }
0x6b: {  	_ =	shalt  }
0x6c: {  	_ =	shalt  }
0x6d: {  	_ =	shalt  }
0x6e: {  	_ =	shalt  }
0x6f: {  	_ =	shalt  }
0x70: {  	_ =	shalt  }
0x71: {  	_ =	shalt  }
0x72: {  	_ =	shalt  }
0x73: {  	_ =	shalt  }
0x74: {  	_ =	shalt  }
0x75: {  	_ =	shalt  }
0x76: {  	_ =	shalt  }
0x77: {  	_ =	shalt  }
0x78: {  	_ =	shalt  }
0x79: {  	_ =	shalt  }
0x7a: {  	_ =	shalt  }
0x7b: {  	_ =	shalt  }
0x7c: {  	_ =	shalt  }
0x7d: {  	_ =	shalt  }
0x7e: {  	_ =	shalt  }
0x7f: {  	_ =	shalt  }
0x80: {  	_ =	shalt  }
0x81: {  	_ =	shalt  }
0x82: {  	_ =	shalt  }
0x83: {  	_ =	shalt  }
0x84: {  	_ =	shalt  }
0x85: {  	_ =	shalt  }
0x86: {  	_ =	shalt  }
0x87: {  	_ =	shalt  }
.Lfunc_end0:
.L_simem_size_0:
called_computation.1_lowered:
.L_overlay_start_0:
0x88: {  	s2 =	sld [smem:$0x3FD9]  }
0x89: {  	s3 =	sld [smem:$0x3FFE];
	_ =	sdelay $0x1  }
0x8a: {  	s1 =	srdreg.scid  }
0x8b: {  	s0 =	sand.u32 $0x1, s1  }
0x8c: {  	s16 =	sshll.u32 s0, $0xA;
	s2 =	sadd.s32 s3, s2  }
0x8d: {  	s2 =	sadd.s32 s2, s16  }
0x8e: {  	[smem:$0x3FBC] =	sst s2  }
0x8f: {  	_ = 	snop  }
0x90: {  	(tm) =	ssettm $0x1  }
0x91: {  	s17 =	sld [smem:$0x3FFB];
	_ =	sdelay $0x3  }
0x92: {  	_ =	strace s17  }
0x93: {  	s2 =	sld [smem:$0x3FFC];
	_ =	sdelay $0x3  }
0x94: {  	_ =	strace s2  }
0x95: {  	s2 =	sld [smem:$0x3FFD];
	_ =	sdelay $0x3  }
0x96: {  	_ =	strace s2  }
0x97: {  	_ =	strace $0x8FFFFFFF  }
0x98: {  	s18 =	sld [smem:$0x3FDB];
	_ =	sdelay $0x1  }
0x99: {  	s19 =	simm.s32 $_scs_section_size  }
0x9a: {  	s4 =	simm.s32 $_size__tile_overlayer_lowered;
	s5 =	simm.s32 $_tile_overlayer_lowered  }
0x9b: {  	s22 =	simm.s32 $0x1BFF;
	s21 =	sshll.u32 s5, $0x1;
	s2 =	sadd.s32 s19, s18  }
0x9c: {  	s6 =	simm.s32 $0x0;
	s20 =	sshll.u32 s4, $0x1;
	s4 =	sadd.s32 s21, s2  }
0x9d: {  	[timem:s6], [sflag:s22] =	dma.local [hbm:s4], s20  }
0x9e: {  	_ =	swait.ge [sflag:s22], s20  }
0x9f: {  	s3 =	ssub.s32 $0x0, s20;
	[sflag:s22] =	ssyncset.done $0x0  }
0xa0: {  	[sflag:s22] =	ssyncadd.s32 s3;
	_ =	sdelay $0x1  }
0xa1: {  	s23 =	simm.s32 $0x1B8B  }
0xa2: {  	_ =	swait.ge [sflag:s23], $0x1  }
0xa3: {  	[sflag:s23] =	ssyncset.done $0x0  }
0xa4: {  	s25 =	simm.s32 $0x1B8E;
	s24 =	sld [smem:$0x3FFE];
	[sflag:s23] =	ssyncadd.s32 $0xFFFFFFFF  }
0xa5: {  	s26 =	simm.s32 $execute0_lowered;
	[smem:$0x3FD2] =	sst s25  }
0xa6: {  	s4 =	sshll.u32 s26, $0x1;
	_ =	strace $0x80000049;
	[dreg:$0x1] =	wrdreg $0xFFFFFFFF  }
0xa7: {  	s28 =	simm.s32 $_size_execute0_lowered;
	s2 =	sadd.s32 s2, s4;
	[dreg:$0x0] =	wrdreg $0x0  }
0xa8: {  	s4 =	sshll.u32 s28, $0x1;
	[dreg:$0x2] =	wrdreg s2  }
0xa9: {  	[dreg:$0x3] =	wrdreg s4  }
0xaa: {  	[dreg:$0x4] =	wrdreg $0xC0  }
0xab: {  	_ =	task [dreg:s6], $0x5FFFF  }
0xac: {  	[dreg:$0x1] =	wrdreg $0xFFFFFFFF  }
0xad: {  	[dreg:$0x0] =	wrdreg $0x60  }
0xae: {  	[dreg:$0x2] =	wrdreg s24  }
0xaf: {  	[dreg:$0x3] =	wrdreg $0x90000  }
0xb0: {  	[dreg:$0x4] =	wrdreg $0x9  }
0xb1: {  	_ =	task.clear_ibuf [dreg:s6], $0x5FFFF;
	_ =	strace $0x90000049  }
0xb2: {  	s29 =	simm.s32 $0x9;
	_ =	strace $0x8000004B  }
0xb3: {  	_ =	swait.ge [sflag:s29], $0x1  }
0xb4: {  	[sflag:s29] =	ssyncadd.s32 $0xFFFFFFFF  }
0xb5: {  	_ =	strace $0x9000004B  }
0xb6: {  	_ =	sfence  }
0xb7: {  	s30 =	sld [smem:$0x0];
	_ =	sdelay $0x2  }
0xb8: {  	s31 =	sshll.u32 s1, $0xD;
	s1 =	sshrl.u32 s1, $0x2  }
0xb9: {  	s3 =	sand.u32 $0x4000, s31;
	s1 =	sadd.s32 s1, s30  }
0xba: {  	s0 =	sor.u32 s3, s0;
	s1 =	sshll.u32 s1, $0x11  }
0xbb: {  	s0 =	sor.u32 s1, s0  }
0xbc: {  	s0 =	sadd.s32 $0x8F2B, s0  }
0xbd: {  	[sflag:s0] =	ssyncadd.remote.s32 $0x1  }
0xbe: {  	_ =	sfence.sel $0xFFFF  }
0xbf: {  	[dreg:$0x0] =	wrdreg $0xFFFFFFFF;
	(pc) =	sbr.abs _section_cstart, $3  }
0xc0: {  	[dreg:$0x1] =	wrdreg $0xFFFFFFFF  }
0xc1: {  	_ =	task.clear_ibuf [dreg:s6], $0x2FFFF;
	_ =	strace $0x9FFFFFFF  }
0xc2: {  	(tm) =	ssettm $0x7FFFFFFF  }
0xc3: {  	_ =	shalt  }
tec
execute0_lowered:
.L_overlay_start_1:
0x0: {  	(tag) =	ssettag $0x1  }
0x1: {  	s10 =	rddreg [dreg:$0x0]  }
0x2: {  	s1 =	rddreg [dreg:$0x1]  }
0x3: {  	s2 =	srdreg.scid;
	s0 =	rddreg [dreg:$0x2]  }
0x4: {  	s3 =	simm.s32 $0x0;
	s16 =	simm.s32 $0x64;
	s17 =	simm.s32 $0x2800  }
0x5: {  	s18 =	simm.s32 $0x5C00;
	s19 =	simm.s32 $0x1;
	s20 =	simm.s32 $0x2  }
0x6: {  	s21 =	simm.s32 $0x1380;
	s22 =	simm.s32 $0x2700;
	s23 =	simm.s32 $0x2780  }
0x7: {  	s9 =	sand.u32 $0x1, s2;
	s2 =	stileid.u32;
	[smem:$0x7FF] =	sst s3  }
0x8: {  	s4 =	sadd.s32 $0x2200, s10;
	s5 =	sadd.s32 $0x73400, s10;
	s7 =	smul.u32 $0x140000, s9  }
0x9: {  	s6 =	sadd.s32 $0x7FC00, s10;
	s8 =	smul.u32 $0x14000, s2;
	_ =	strace $0x8000004A  }
0xa: {  	s11 =	ssub.s32 $0x2, s9;
	s12 =	smul.u32 $0x50000, s2;
	s31 =	sshll.u32 s2, $0x6  }
0xb: {  	p0 =	seq.s32 s9, $0x1;
	s9 =	smul.u32 $0x6400, s2;
	s29 =	sshrl.u32 s11, $0x1  }
.Ltmp0:
0xc: {  	s7 =	sadd.s32 s8, s7;
	s14 =	ssub.s32 s11, s29;
	(pc) =	sbr.rel .LBB2_1-.Ltmp0, $4  }
0xd: {  	s30 =	sshrl.u32 s12, $0x2;
	s8 =	sshrl.u32 s7, $0x3;
	s7 =	sadd.s32 $0x50400, s10  }
0xe: {  	s15 =	sadd.s32 s30, s1;
	s12 =	smax.u32 s14, $0x1;
	s14 =	simm.s32 $0x3  }
0xf: {  	s13 =	sadd.s32 s8, s10;
	s8 =	sor.u32 $0x1C03, s31;
	s10 =	sadd.s32 $0x29300, s10  }
0x10: {  	s11 =	sadd.s32 $0x8C400, s13;
	s13 =	sshrl.u32 s15, $0x3;
	s15 =	simm.s32 $0x1400  }
.LBB2_8:
0x11: {  	s3 =	sadd.s32 $0x1, s3  }
0x12: {  	p1 =	sne.s32 s3, s12  }
.Ltmp1:
0x13: {  	[bflag:$0x0] =	sbarrier.arrive $0xFFFF;
	(pc) =	sbr.rel @!p1 .LBB2_9-.Ltmp1, $4  }
0x14: {  	[hbm:s11], [sflag:s8] =	dma.local [spmem:s13], $0x2800  }
0x15: {  	_ =	swait.ge [sflag:s14], $0x2800  }
0x16: {  	[sflag:s14] =	ssyncset.done $0x0  }
0x17: {  	[sflag:s14] =	ssyncadd.s32 $0xFFFFD800  }
.LBB2_1:
0x18: {  	[spmem:s13], [sflag:s8] =	dma.local [hbm:s7], $0x2800  }
.Ltmp2:
0x19: {  	_ =	swait.ge [sflag:s14], $0x2800;
	(pc) =	sbr.rel @!p0 .LBB2_2-.Ltmp2, $4  }
0x1a: {  	[sflag:s14] =	ssyncset.done $0x0  }
0x1b: {  	[sflag:s14] =	ssyncadd.s32 $0xFFFFD800  }
0x1c: {  	[bflag:$0x0] =	sbarrier.arrive $0xFFFF  }
0x1d: {  	s24 =	simm.s32 $0x0;
	s25 =	simm.s32 $0x0  }
.LBB2_5:
0x1e: {  	s24 =	smul.u32 $0x1400, s25;
	_ =	sdelay $0x1  }
0x1f: {  	s24 =	sadd.s32 s9, s24  }
0x20: {  	s24 =	sshrl.u32 s24, $0x3  }
0x21: {  	s28 =	simm.s32 $0x0;
	s26 =	sadd.s32 s5, s24  }
0x22: {  	[tilespmem:s28], [sflag:$0x3] =	stream.linear.gather [hbm4b:s26+s28], $0x1400, $0x38;
	[tilespmem:$0x1D000] =	vst v63  }
0x23: {  	_ =	swait.ge [sflag:s14], $0x1400  }
0x24: {  	[sflag:s14] =	ssyncset.done $0x0  }
0x25: {  	s24 =	sadd.s32 s6, s24;
	[sflag:s14] =	ssyncadd.s32 $0xFFFFEC00  }
0x26: {  	[tilespmem:s15], [sflag:$0x3] =	stream.linear.gather [hbm4b:s24+s28], $0x1400, $0x38;
	[tilespmem:$0x1D000] =	vst v63  }
0x27: {  	_ =	swait.ge [sflag:s14], $0x1400  }
0x28: {  	[sflag:s14] =	ssyncset.done $0x0  }
0x29: {  	[sflag:s14] =	ssyncadd.s32 $0xFFFFEC00  }
0x2a: {  	[tilespmem:s17], [sflag:$0x1] =	stream.indirect.gather [hbm4b:s10+s16], $0x80, s28, s16, $0xb8;
	[tilespmem:$0x1D000] =	vst v63  }
0x2b: {  	s28 =	simm.s32 $0x80  }
0x2c: {  	[tilespmem:s18], [sflag:$0x2] =	stream.indirect.gather [hbm4b:s10+s16], $0x80, s28, s16, $0xb8;
	[tilespmem:$0x1D000] =	vst v63  }
0x2d: {  	_ =	swait.ge [sflag:s19], $0x3200  }
0x2e: {  	[sflag:s19] =	ssyncset.done $0x0  }
0x2f: {  	s29 =	simm.s32 $0x1400;
	[sflag:s19] =	ssyncadd.s32 $0xFFFFCE00  }
0x30: {  	[spmem:s1] =	stream.indirect.scatter.add.f32 [tilespmem:s17], [sflag:$0x3], $0x80, s29, s16, $0xb8;
	[tilespmem:$0x1D000] =	vst v63  }
0x31: {  	_ =	swait.ge [sflag:s14], $0x3200  }
0x32: {  	[sflag:s14] =	ssyncset.done $0x0  }
0x33: {  	s30 =	simm.s32 $0x100;
	[sflag:s14] =	ssyncadd.s32 $0xFFFFCE00  }
0x34: {  	[tilespmem:s17], [sflag:$0x1] =	stream.indirect.gather [hbm4b:s10+s16], $0x80, s30, s16, $0xb8;
	[tilespmem:$0x1D000] =	vst v63  }
0x35: {  	_ =	swait.ge [sflag:s20], $0x3200  }
0x36: {  	[sflag:s20] =	ssyncset.done $0x0  }
0x37: {  	s31 =	simm.s32 $0x1480;
	[sflag:s20] =	ssyncadd.s32 $0xFFFFCE00  }
0x38: {  	[spmem:s1] =	stream.indirect.scatter.add.f32 [tilespmem:s18], [sflag:$0x3], $0x80, s31, s16, $0xb8;
	[tilespmem:$0x1D000] =	vst v63  }
0x39: {  	_ =	swait.ge [sflag:s14], $0x3200  }
0x3a: {  	s26 =	simm.s32 $0x800;
	s24 =	simm.s32 $0x100;
	[sflag:s14] =	ssyncset.done $0x0  }
.LBB2_6:
0x3b: {  	s28 =	sadd.s32 $0x80, s24  }
0x3c: {  	[sflag:s14] =	ssyncadd.s32 $0xFFFFCE00;
	s29 =	smov.u32 s26;
	s30 =	sadd.s32 $0x400, s26  }
0x3d: {  	[tilespmem:s18], [sflag:$0x2] =	stream.indirect.gather [hbm4b:s10+s16], $0x80, s28, s16, $0xb8;
	[tilespmem:$0x1D000] =	vst v63  }
0x3e: {  	p1 =	sne.s32 s26, $0x4800;
	_ =	swait.ge [sflag:s19], $0x3200  }
0x3f: {  	[sflag:s19] =	ssyncset.done $0x0  }
0x40: {  	s26 =	sadd.s32 $0x1400, s24;
	[sflag:s19] =	ssyncadd.s32 $0xFFFFCE00  }
0x41: {  	[spmem:s1] =	stream.indirect.scatter.add.f32 [tilespmem:s17], [sflag:$0x3], $0x80, s26, s16, $0xb8;
	[tilespmem:$0x1D000] =	vst v63  }
0x42: {  	_ =	swait.ge [sflag:s14], $0x3200  }
0x43: {  	[sflag:s14] =	ssyncset.done $0x0  }
0x44: {  	s26 =	sadd.s32 $0x100, s24;
	[sflag:s14] =	ssyncadd.s32 $0xFFFFCE00  }
0x45: {  	[tilespmem:s17], [sflag:$0x1] =	stream.indirect.gather [hbm4b:s10+s16], $0x80, s26, s16, $0xb8;
	[tilespmem:$0x1D000] =	vst v63  }
0x46: {  	_ =	swait.ge [sflag:s20], $0x3200  }
.Ltmp3:
0x47: {  	[sflag:s20] =	ssyncset.done $0x0;
	(pc) =	sbr.rel @p1 .LBB2_6-.Ltmp3, $4  }
0x48: {  	s24 =	sadd.s32 $0x1480, s24;
	[sflag:s20] =	ssyncadd.s32 $0xFFFFCE00  }
0x49: {  	[spmem:s1] =	stream.indirect.scatter.add.f32 [tilespmem:s18], [sflag:$0x3], $0x80, s24, s16, $0xb8;
	[tilespmem:$0x1D000] =	vst v63  }
0x4a: {  	_ =	swait.ge [sflag:s14], $0x3200  }
0x4b: {  	s26 =	smov.u32 s30;
	s24 =	sshra.s32 s29, $0x2;
	[sflag:s14] =	ssyncset.done $0x0  }
0x4c: {  	s26 =	sadd.s32 $0x80, s24;
	[sflag:s14] =	ssyncadd.s32 $0xFFFFCE00  }
0x4d: {  	[tilespmem:s18], [sflag:$0x2] =	stream.indirect.gather [hbm4b:s10+s16], $0x80, s26, s16, $0xb8;
	[tilespmem:$0x1D000] =	vst v63  }
0x4e: {  	_ =	swait.ge [sflag:s19], $0x3200  }
0x4f: {  	[sflag:s19] =	ssyncset.done $0x0  }
0x50: {  	s29 =	sadd.s32 $0x1400, s24;
	[sflag:s19] =	ssyncadd.s32 $0xFFFFCE00  }
0x51: {  	[spmem:s1] =	stream.indirect.scatter.add.f32 [tilespmem:s17], [sflag:$0x3], $0x80, s29, s16, $0xb8;
	[tilespmem:$0x1D000] =	vst v63  }
0x52: {  	_ =	swait.ge [sflag:s14], $0x3200  }
0x53: {  	[sflag:s14] =	ssyncset.done $0x0  }
0x54: {  	s30 =	sadd.s32 $0x100, s24;
	[sflag:s14] =	ssyncadd.s32 $0xFFFFCE00  }
0x55: {  	[tilespmem:s17], [sflag:$0x1] =	stream.indirect.gather [hbm4b:s10+s16], $0x80, s30, s16, $0xb8;
	[tilespmem:$0x1D000] =	vst v63  }
0x56: {  	_ =	swait.ge [sflag:s20], $0x3200  }
0x57: {  	[sflag:s20] =	ssyncset.done $0x0  }
0x58: {  	s31 =	sadd.s32 $0x1480, s24;
	[sflag:s20] =	ssyncadd.s32 $0xFFFFCE00  }
0x59: {  	[spmem:s1] =	stream.indirect.scatter.add.f32 [tilespmem:s18], [sflag:$0x3], $0x80, s31, s16, $0xb8;
	[tilespmem:$0x1D000] =	vst v63  }
0x5a: {  	_ =	swait.ge [sflag:s14], $0x3200  }
0x5b: {  	[sflag:s14] =	ssyncset.done $0x0  }
0x5c: {  	[sflag:s14] =	ssyncadd.s32 $0xFFFFCE00  }
0x5d: {  	[tilespmem:s18], [sflag:$0x2] =	stream.indirect.gather [hbm4b:s10+s16], $0x80, s21, s16, $0xb8;
	[tilespmem:$0x1D000] =	vst v63  }
0x5e: {  	_ =	swait.ge [sflag:s19], $0x3200  }
0x5f: {  	[sflag:s19] =	ssyncset.done $0x0  }
0x60: {  	[sflag:s19] =	ssyncadd.s32 $0xFFFFCE00  }
0x61: {  	[spmem:s1] =	stream.indirect.scatter.add.f32 [tilespmem:s17], [sflag:$0x3], $0x80, s22, s16, $0xb8;
	[tilespmem:$0x1D000] =	vst v63  }
0x62: {  	_ =	swait.ge [sflag:s14], $0x3200  }
0x63: {  	[sflag:s14] =	ssyncset.done $0x0  }
0x64: {  	[sflag:s14] =	ssyncadd.s32 $0xFFFFCE00  }
0x65: {  	_ =	swait.ge [sflag:s20], $0x3200  }
0x66: {  	s25 =	sadd.s32 $0x1, s25;
	[sflag:s20] =	ssyncset.done $0x0  }
0x67: {  	p1 =	sne.s32 s25, $0x5;
	[sflag:s20] =	ssyncadd.s32 $0xFFFFCE00  }
0x68: {  	[spmem:s1] =	stream.indirect.scatter.add.f32 [tilespmem:s18], [sflag:$0x3], $0x80, s23, s16, $0xb8;
	[tilespmem:$0x1D000] =	vst v63  }
.Ltmp4:
0x69: {  	_ = 	snop;
	(pc) =	sbr.rel @p1 .LBB2_5-.Ltmp4, $4  }
.Ltmp5:
0x6a: {  	_ = 	snop;
	(pc) =	sbr.rel @!p1 .LBB2_8-.Ltmp5, $4  }
0x6b: {  	_ =	swait.ge [sflag:s14], $0x3200  }
0x6c: {  	[sflag:s14] =	ssyncset.done $0x0  }
0x6d: {  	[sflag:s14] =	ssyncadd.s32 $0xFFFFCE00  }
0x6e: {  	_ = 	snop  }
.LBB2_2:
0x6f: {  	s25 =	smul.u32 $0x1400, s24;
	_ =	sdelay $0x1  }
0x70: {  	s25 =	sadd.s32 s9, s25  }
0x71: {  	s25 =	sshrl.u32 s25, $0x3  }
0x72: {  	s28 =	simm.s32 $0x0;
	s26 =	sadd.s32 s5, s25  }
0x73: {  	[tilespmem:s28], [sflag:$0x3] =	stream.linear.gather [hbm4b:s26+s28], $0x1400, $0x38;
	[tilespmem:$0x1D000] =	vst v63  }
0x74: {  	_ =	swait.ge [sflag:s14], $0x1400  }
0x75: {  	[sflag:s14] =	ssyncset.done $0x0  }
0x76: {  	s25 =	sadd.s32 s6, s25;
	[sflag:s14] =	ssyncadd.s32 $0xFFFFEC00  }
0x77: {  	[tilespmem:s15], [sflag:$0x3] =	stream.linear.gather [hbm4b:s25+s28], $0x1400, $0x38;
	[tilespmem:$0x1D000] =	vst v63  }
0x78: {  	_ =	swait.ge [sflag:s14], $0x1400  }
0x79: {  	[sflag:s14] =	ssyncset.done $0x0  }
0x7a: {  	[sflag:s14] =	ssyncadd.s32 $0xFFFFEC00  }
0x7b: {  	[tilespmem:s17], [sflag:$0x1] =	stream.indirect.gather [hbm4b:s4+s16], $0x80, s28, s16, $0xb8;
	[tilespmem:$0x1D000] =	vst v63  }
0x7c: {  	s28 =	simm.s32 $0x80  }
0x7d: {  	[tilespmem:s18], [sflag:$0x2] =	stream.indirect.gather [hbm4b:s4+s16], $0x80, s28, s16, $0xb8;
	[tilespmem:$0x1D000] =	vst v63  }
0x7e: {  	_ =	swait.ge [sflag:s19], $0x3200  }
0x7f: {  	[sflag:s19] =	ssyncset.done $0x0  }
0x80: {  	s29 =	simm.s32 $0x1400;
	[sflag:s19] =	ssyncadd.s32 $0xFFFFCE00  }
0x81: {  	[spmem:s1] =	stream.indirect.scatter.add.f32 [tilespmem:s17], [sflag:$0x3], $0x80, s29, s16, $0xb8;
	[tilespmem:$0x1D000] =	vst v63  }
0x82: {  	_ =	swait.ge [sflag:s14], $0x3200  }
0x83: {  	[sflag:s14] =	ssyncset.done $0x0  }
0x84: {  	s30 =	simm.s32 $0x100;
	[sflag:s14] =	ssyncadd.s32 $0xFFFFCE00  }
0x85: {  	[tilespmem:s17], [sflag:$0x1] =	stream.indirect.gather [hbm4b:s4+s16], $0x80, s30, s16, $0xb8;
	[tilespmem:$0x1D000] =	vst v63  }
0x86: {  	_ =	swait.ge [sflag:s20], $0x3200  }
0x87: {  	[sflag:s20] =	ssyncset.done $0x0  }
0x88: {  	s31 =	simm.s32 $0x1480;
	[sflag:s20] =	ssyncadd.s32 $0xFFFFCE00  }
0x89: {  	[spmem:s1] =	stream.indirect.scatter.add.f32 [tilespmem:s18], [sflag:$0x3], $0x80, s31, s16, $0xb8;
	[tilespmem:$0x1D000] =	vst v63  }
0x8a: {  	_ =	swait.ge [sflag:s14], $0x3200  }
0x8b: {  	s26 =	simm.s32 $0x800;
	s25 =	simm.s32 $0x100;
	[sflag:s14] =	ssyncset.done $0x0  }
.LBB2_3:
0x8c: {  	s28 =	sadd.s32 $0x80, s25  }
0x8d: {  	[sflag:s14] =	ssyncadd.s32 $0xFFFFCE00;
	s29 =	smov.u32 s26;
	s30 =	sadd.s32 $0x400, s26  }
0x8e: {  	[tilespmem:s18], [sflag:$0x2] =	stream.indirect.gather [hbm4b:s4+s16], $0x80, s28, s16, $0xb8;
	[tilespmem:$0x1D000] =	vst v63  }
0x8f: {  	p1 =	sne.s32 s26, $0x4800;
	_ =	swait.ge [sflag:s19], $0x3200  }
0x90: {  	[sflag:s19] =	ssyncset.done $0x0  }
0x91: {  	s26 =	sadd.s32 $0x1400, s25;
	[sflag:s19] =	ssyncadd.s32 $0xFFFFCE00  }
0x92: {  	[spmem:s1] =	stream.indirect.scatter.add.f32 [tilespmem:s17], [sflag:$0x3], $0x80, s26, s16, $0xb8;
	[tilespmem:$0x1D000] =	vst v63  }
0x93: {  	_ =	swait.ge [sflag:s14], $0x3200  }
0x94: {  	[sflag:s14] =	ssyncset.done $0x0  }
0x95: {  	s26 =	sadd.s32 $0x100, s25;
	[sflag:s14] =	ssyncadd.s32 $0xFFFFCE00  }
0x96: {  	[tilespmem:s17], [sflag:$0x1] =	stream.indirect.gather [hbm4b:s4+s16], $0x80, s26, s16, $0xb8;
	[tilespmem:$0x1D000] =	vst v63  }
0x97: {  	_ =	swait.ge [sflag:s20], $0x3200  }
.Ltmp6:
0x98: {  	[sflag:s20] =	ssyncset.done $0x0;
	(pc) =	sbr.rel @p1 .LBB2_3-.Ltmp6, $4  }
0x99: {  	s25 =	sadd.s32 $0x1480, s25;
	[sflag:s20] =	ssyncadd.s32 $0xFFFFCE00  }
0x9a: {  	[spmem:s1] =	stream.indirect.scatter.add.f32 [tilespmem:s18], [sflag:$0x3], $0x80, s25, s16, $0xb8;
	[tilespmem:$0x1D000] =	vst v63  }
0x9b: {  	_ =	swait.ge [sflag:s14], $0x3200  }
0x9c: {  	s26 =	smov.u32 s30;
	s25 =	sshra.s32 s29, $0x2;
	[sflag:s14] =	ssyncset.done $0x0  }
0x9d: {  	s26 =	sadd.s32 $0x80, s25;
	[sflag:s14] =	ssyncadd.s32 $0xFFFFCE00  }
0x9e: {  	[tilespmem:s18], [sflag:$0x2] =	stream.indirect.gather [hbm4b:s4+s16], $0x80, s26, s16, $0xb8;
	[tilespmem:$0x1D000] =	vst v63  }
0x9f: {  	_ =	swait.ge [sflag:s19], $0x3200  }
0xa0: {  	[sflag:s19] =	ssyncset.done $0x0  }
0xa1: {  	s29 =	sadd.s32 $0x1400, s25;
	[sflag:s19] =	ssyncadd.s32 $0xFFFFCE00  }
0xa2: {  	[spmem:s1] =	stream.indirect.scatter.add.f32 [tilespmem:s17], [sflag:$0x3], $0x80, s29, s16, $0xb8;
	[tilespmem:$0x1D000] =	vst v63  }
0xa3: {  	_ =	swait.ge [sflag:s14], $0x3200  }
0xa4: {  	[sflag:s14] =	ssyncset.done $0x0  }
0xa5: {  	s30 =	sadd.s32 $0x100, s25;
	[sflag:s14] =	ssyncadd.s32 $0xFFFFCE00  }
0xa6: {  	[tilespmem:s17], [sflag:$0x1] =	stream.indirect.gather [hbm4b:s4+s16], $0x80, s30, s16, $0xb8;
	[tilespmem:$0x1D000] =	vst v63  }
0xa7: {  	_ =	swait.ge [sflag:s20], $0x3200  }
0xa8: {  	[sflag:s20] =	ssyncset.done $0x0  }
0xa9: {  	s31 =	sadd.s32 $0x1480, s25;
	[sflag:s20] =	ssyncadd.s32 $0xFFFFCE00  }
0xaa: {  	[spmem:s1] =	stream.indirect.scatter.add.f32 [tilespmem:s18], [sflag:$0x3], $0x80, s31, s16, $0xb8;
	[tilespmem:$0x1D000] =	vst v63  }
0xab: {  	_ =	swait.ge [sflag:s14], $0x3200  }
0xac: {  	[sflag:s14] =	ssyncset.done $0x0  }
0xad: {  	[sflag:s14] =	ssyncadd.s32 $0xFFFFCE00  }
0xae: {  	[tilespmem:s18], [sflag:$0x2] =	stream.indirect.gather [hbm4b:s4+s16], $0x80, s21, s16, $0xb8;
	[tilespmem:$0x1D000] =	vst v63  }
0xaf: {  	_ =	swait.ge [sflag:s19], $0x3200  }
0xb0: {  	[sflag:s19] =	ssyncset.done $0x0  }
0xb1: {  	[sflag:s19] =	ssyncadd.s32 $0xFFFFCE00  }
0xb2: {  	[spmem:s1] =	stream.indirect.scatter.add.f32 [tilespmem:s17], [sflag:$0x3], $0x80, s22, s16, $0xb8;
	[tilespmem:$0x1D000] =	vst v63  }
0xb3: {  	_ =	swait.ge [sflag:s14], $0x3200  }
0xb4: {  	[sflag:s14] =	ssyncset.done $0x0  }
0xb5: {  	[sflag:s14] =	ssyncadd.s32 $0xFFFFCE00  }
0xb6: {  	_ =	swait.ge [sflag:s20], $0x3200  }
0xb7: {  	s24 =	sadd.s32 $0x1, s24;
	[sflag:s20] =	ssyncset.done $0x0  }
0xb8: {  	p1 =	seq.s32 s24, $0x5;
	[sflag:s20] =	ssyncadd.s32 $0xFFFFCE00  }
0xb9: {  	[spmem:s1] =	stream.indirect.scatter.add.f32 [tilespmem:s18], [sflag:$0x3], $0x80, s23, s16, $0xb8;
	[tilespmem:$0x1D000] =	vst v63  }
.Ltmp7:
0xba: {  	_ = 	snop;
	(pc) =	sbr.rel @!p1 .LBB2_2-.Ltmp7, $4  }
.Ltmp8:
0xbb: {  	_ = 	snop;
	(pc) =	sbr.rel @p1 .LBB2_8-.Ltmp8, $4  }
0xbc: {  	_ =	swait.ge [sflag:s14], $0x3200  }
0xbd: {  	[sflag:s14] =	ssyncset.done $0x0  }
0xbe: {  	[sflag:s14] =	ssyncadd.s32 $0xFFFFCE00  }
0xbf: {  	_ = 	snop  }
.LBB2_9:
0xc0: {  	_ =	sfence.sel $0x180000  }
0xc1: {  	[bflag:$0x0] =	sbarrier.arrive $0xFFFF  }
0xc2: {  	p0 =	sne.s32 s2, $0x0;
	_ =	strace $0x9000004A  }
0xc3: {  	s0 =	sadd.s32 @!p0 $0x100000, s0;
	[bflag:$0x2] =	sbarrier.arrive $0xFFFF  }
0xc4: {  	[sflag:s0] =	ssyncadd.tile.s32 @!p0 $0x1;
	_ =	shalt  }
.Lfunc_end2:
_tile_overlayer_lowered:
.L_overlay_start_2:
0xc5: {  	(tag) =	ssettag $0x2  }
0xc6: {  	s0 =	rddreg [dreg:$0x0];
	s2 =	stileid.u32  }
0xc7: {  	s1 =	rddreg [dreg:$0x1];
	p0 =	sne.s32 s2, $0x0  }
0xc8: {  	s3 =	rddreg [dreg:$0x2];
	[bflag:$0x3] =	sbarrier.arrive $0xFFFF;
	s2 =	simm.s32 @!p0 $0x1C03  }
0xc9: {  	[timem:s3], [sflag:s2] =	dma.local @!p0 [hbm:s0], s1  }
0xca: {  	s0 =	simm.s32 @!p0 $0x3  }
0xcb: {  	_ =	swait.ge @!p0 [sflag:s0], s1  }
0xcc: {  	s1 =	ssub.s32 @!p0 $0x0, s1;
	[sflag:s0] =	ssyncset.done @!p0 $0x0  }
0xcd: {  	[sflag:s0] =	ssyncadd.s32 @!p0 s1  }
0xce: {  	[bflag:$0x3] =	sbarrier.arrive $0xFFFF  }
0xcf: {  	_ =	shalt  }

</sc_bundles>
